<compile_context>
chip_gen: v7x
topology: tpu7x:2x2x1
jax: 0.10.2.dev20260603
libtpu: 0.0.44.dev20260713+nightly
codegen_flags: <defaults>
</compile_context>

<pallas_src>
import functools
import math

import jax
import jax.numpy as jnp
from jax import lax
from jax.experimental import pallas as pl
from jax.experimental.pallas import tpu as pltpu
from jax.experimental.pallas import tpu_sc as plsc

VOCAB = 1000000
D_MODEL = 64
SCALE = math.sqrt(D_MODEL)

B, S = 4096, 200
N = B * S
NC, NS, L = 2, 16, 16
NW = NC * NS
N_PER_W = N // NW
C = 256
G = N_PER_W // C
H = G // 2

_mesh = plsc.VectorSubcoreMesh(core_axis_name="c", subcore_axis_name="s")


@functools.partial(
    pl.kernel,
    mesh=_mesh,
    compiler_params=pltpu.CompilerParams(use_tc_tiling_on_sc=False),
    out_type=jax.ShapeDtypeStruct((N, D_MODEL), jnp.float32),
    scratch_types=[
        pltpu.VMEM((N_PER_W,), jnp.int32),
        pltpu.VMEM((C, D_MODEL), jnp.float32),
        pltpu.VMEM((C, D_MODEL), jnp.float32),
        pltpu.SemaphoreType.DMA,
        pltpu.SemaphoreType.DMA,
        pltpu.SemaphoreType.DMA,
        pltpu.SemaphoreType.DMA,
    ],
)
def _emb_lookup(idx_hbm, table_hbm, out_hbm,
                idx_v, row0, row1,
                gsem0, gsem1, osem0, osem1):
    wid = lax.axis_index("s") * NC + lax.axis_index("c")
    base = wid * N_PER_W

    pltpu.sync_copy(idx_hbm.at[pl.ds(base, N_PER_W)], idx_v)

    rows = (row0, row1)
    gsem = (gsem0, gsem1)
    osem = (osem0, osem1)

    def gather(g, b):
        pltpu.async_copy(table_hbm.at[idx_v.at[pl.ds(g * C, C)]],
                         rows[b], gsem[b])

    def gather_wait(g, b):
        pltpu.make_async_copy(table_hbm.at[idx_v.at[pl.ds(g * C, C)]],
                              rows[b], gsem[b]).wait()

    def scatter(g, b):
        pltpu.async_copy(rows[b], out_hbm.at[pl.ds(base + g * C, C)], osem[b])

    def scatter_wait(b):
        pltpu.make_async_copy(rows[b], out_hbm.at[pl.ds(0, C)],
                              osem[b]).wait()

    def scale(b):
        buf = rows[b]

        def row_body(r, carry):
            for j in range(D_MODEL // L):
                sl = pl.ds(j * L, L)
                buf[r, sl] = buf[r, sl] * SCALE
            return carry

        lax.fori_loop(0, C, row_body, 0, unroll=4)

    gather(0, 0)

    def step(h, carry):
        gather(2 * h + 1, 1)
        gather_wait(2 * h, 0)

        @pl.when(h > 0)
        def _():
            scatter_wait(0)

        scale(0)
        scatter(2 * h, 0)

        @pl.when(h < H - 1)
        def _():
            gather(2 * h + 2, 0)

        gather_wait(2 * h + 1, 1)

        @pl.when(h > 0)
        def _():
            scatter_wait(1)

        scale(1)
        scatter(2 * h + 1, 1)
        return carry

    lax.fori_loop(0, H, step, 0)
    scatter_wait(0)
    scatter_wait(1)


def kernel(x, table):
    out = _emb_lookup(x.reshape(N), table)
    return out.reshape(B, S, D_MODEL)

# --- scband reference (transcript-rebuilt; emitter-appended) ---
"""Pipeline reference for scband-embedding-4157528342957 (READ-ONLY COPY).

The authoritative reference and input builder live on the scoring server;
editing this copy changes nothing except your own understanding.
"""

import jax, jax.numpy as jnp
import numpy as np
import math

VOCAB = 1000000
D_MODEL = 64

def setup_inputs(seed: int = 0) -> dict:
    key = jax.random.key(seed)
    k1, k2 = jax.random.split(key)
    x = jax.random.randint(k1, (4096, 200), 0, VOCAB, dtype=jnp.int64 if jax.config.jax_enable_x64 else jnp.int32)
    table = jax.random.normal(k2, (VOCAB, D_MODEL), dtype=jnp.float32)
    return {"x": x, "table": table}

def reference(x, table):
    # gather rows from the embedding table, then scale by sqrt(d_model)
    emb = jnp.take(table, x, axis=0)
    return emb * math.sqrt(D_MODEL)

if __name__ == "__main__":
    import jax
    _d = setup_inputs()
    print(jax.jit(kernel)(*tuple(_d.values())))

</pallas_src>

<mosaic_0001>
#map = affine_map<(d0, d1) -> (0)>
#map1 = affine_map<(d0, d1) -> (0, 0)>
module attributes {stable_mosaic.version = 14 : i64} {
  func.func @_emb_lookup(%arg0: i32, %arg1: i32, %arg2: memref<819200xi32, #tpu.memory_space<hbm>>, %arg3: memref<1000000x64xf32, #tpu.memory_space<hbm>>, %arg4: memref<819200x64xf32, #tpu.memory_space<hbm>>, %arg5: memref<25600xi32, #tpu.memory_space<vmem>>, %arg6: memref<256x64xf32, #tpu.memory_space<vmem>>, %arg7: memref<256x64xf32, #tpu.memory_space<vmem>>, %arg8: memref<!tpu.dma_semaphore, #tpu.memory_space<semaphore_mem>>, %arg9: memref<!tpu.dma_semaphore, #tpu.memory_space<semaphore_mem>>, %arg10: memref<!tpu.dma_semaphore, #tpu.memory_space<semaphore_mem>>, %arg11: memref<!tpu.dma_semaphore, #tpu.memory_space<semaphore_mem>>) attributes {dimension_semantics = [#tpu.dimension_semantics<core_parallel>, #tpu.dimension_semantics<subcore_parallel>], iteration_bounds = array<i64: 2, 16>, scalar_prefetch = 0 : i64, scratch_operands = 7 : i64, tpu.core_type = #tpu.core_type<sc_vector_subcore>, window_params = [{transform_indices = #map}, {transform_indices = #map1}, {transform_indices = #map1}]} {
    %mul3A = arith.constant 2 : i32
    %mul3A_0 = arith.muli %arg1, %mul3A : i32
    %add3A = arith.addi %mul3A_0, %arg0 : i32
    %mul3A_1 = arith.constant 25600 : i32
    %mul3A_2 = arith.muli %add3A, %mul3A_1 : i32
    "tpu.region"() ({
      %run_scoped3A = tpu.sem_alloc : memref<!tpu.dma_semaphore, #tpu.memory_space<semaphore_mem>>
      %dma_start3A_23 = tpu.memref_slice %arg2[%mul3A_2] : memref<819200xi32, #tpu.memory_space<hbm>> -> memref<25600xi32, #tpu.memory_space<hbm>>
      %dma_start3A_24 = tpu.memref_slice %arg2[%mul3A_2] : memref<819200xi32, #tpu.memory_space<hbm>> -> memref<25600xi32, #tpu.memory_space<hbm>>
      tpu.enqueue_dma source(%dma_start3A_24 : memref<25600xi32, #tpu.memory_space<hbm>>) target(%arg5 : memref<25600xi32, #tpu.memory_space<vmem>>) target_semaphore(%run_scoped3A : memref<!tpu.dma_semaphore, #tpu.memory_space<semaphore_mem>>)
      %dma_wait3A_25 = tpu.memref_slice %arg2[%mul3A_2] : memref<819200xi32, #tpu.memory_space<hbm>> -> memref<25600xi32, #tpu.memory_space<hbm>>
      %dma_wait3A_26 = tpu.memref_slice %arg2[%mul3A_2] : memref<819200xi32, #tpu.memory_space<hbm>> -> memref<25600xi32, #tpu.memory_space<hbm>>
      tpu.wait_dma2 semaphore(%run_scoped3A : memref<!tpu.dma_semaphore, #tpu.memory_space<semaphore_mem>>) src(%dma_wait3A_26 : memref<25600xi32, #tpu.memory_space<hbm>>) dst(%arg5 : memref<25600xi32, #tpu.memory_space<vmem>>)
      tpu.yield
    }) : () -> ()
    %dma_start3A = arith.constant 0 : i32
    %dma_start3A_3 = tpu.memref_slice %arg5[%dma_start3A] : memref<25600xi32, #tpu.memory_space<vmem>> -> memref<256xi32, #tpu.memory_space<vmem>>
    %dma_start3A_4 = arith.constant 0 : i32
    %dma_start3A_5 = arith.constant 0 : i32
    %dma_start3A_6 = tpu.memref_slice %arg3[%dma_start3A_4, %dma_start3A_5] : memref<1000000x64xf32, #tpu.memory_space<hbm>> -> memref<1000000x64xf32, #tpu.memory_space<hbm>>
    tpu.enqueue_indirect_dma source(%dma_start3A_6 : memref<1000000x64xf32, #tpu.memory_space<hbm>>) target(%arg6 : memref<256x64xf32, #tpu.memory_space<vmem>>) offsets(%dma_start3A_3 : memref<256xi32, #tpu.memory_space<vmem>>) semaphore(%arg8 : memref<!tpu.dma_semaphore, #tpu.memory_space<semaphore_mem>>)
    %scan3A = arith.constant 0 : i32
    %scan3A_7 = arith.constant 0 : i32
    %scan3A_8 = arith.constant 50 : i32
    %scan3A_9 = arith.addi %scan3A_7, %scan3A_8 : i32
    %scan3A_10 = arith.constant 1 : i32
    scf.for %scan3A_23 = %scan3A_7 to %scan3A_9 step %scan3A_10  : i32 {
      %mul3A_24 = arith.constant 2 : i32
      %mul3A_25 = arith.muli %mul3A_24, %scan3A_23 : i32
      %add3A_26 = arith.constant 1 : i32
      %add3A_27 = arith.addi %mul3A_25, %add3A_26 : i32
      %mul3A_28 = arith.constant 256 : i32
      %mul3A_29 = arith.muli %add3A_27, %mul3A_28 : i32
      %dma_start3A_30 = tpu.memref_slice %arg5[%mul3A_29] : memref<25600xi32, #tpu.memory_space<vmem>> -> memref<256xi32, #tpu.memory_space<vmem>>
      %dma_start3A_31 = arith.constant 0 : i32
      %dma_start3A_32 = arith.constant 0 : i32
      %dma_start3A_33 = tpu.memref_slice %arg3[%dma_start3A_31, %dma_start3A_32] : memref<1000000x64xf32, #tpu.memory_space<hbm>> -> memref<1000000x64xf32, #tpu.memory_space<hbm>>
      tpu.enqueue_indirect_dma source(%dma_start3A_33 : memref<1000000x64xf32, #tpu.memory_space<hbm>>) target(%arg7 : memref<256x64xf32, #tpu.memory_space<vmem>>) offsets(%dma_start3A_30 : memref<256xi32, #tpu.memory_space<vmem>>) semaphore(%arg9 : memref<!tpu.dma_semaphore, #tpu.memory_space<semaphore_mem>>)
      %mul3A_34 = arith.constant 2 : i32
      %mul3A_35 = arith.muli %mul3A_34, %scan3A_23 : i32
      %mul3A_36 = arith.constant 256 : i32
      %mul3A_37 = arith.muli %mul3A_35, %mul3A_36 : i32
      %dma_wait3A_38 = tpu.memref_slice %arg5[%mul3A_37] : memref<25600xi32, #tpu.memory_space<vmem>> -> memref<256xi32, #tpu.memory_space<vmem>>
      %dma_wait3A_39 = arith.constant 0 : i32
      %dma_wait3A_40 = arith.constant 0 : i32
      %dma_wait3A_41 = tpu.memref_slice %arg3[%dma_wait3A_39, %dma_wait3A_40] : memref<1000000x64xf32, #tpu.memory_space<hbm>> -> memref<1000000x64xf32, #tpu.memory_space<hbm>>
      tpu.wait_indirect_dma semaphore(%arg8 : memref<!tpu.dma_semaphore, #tpu.memory_space<semaphore_mem>>) src(%dma_wait3A_41 : memref<1000000x64xf32, #tpu.memory_space<hbm>>) dst(%arg6 : memref<256x64xf32, #tpu.memory_space<vmem>>)
      %gt3A = arith.constant 0 : i32
      %gt3A_42 = arith.cmpi sgt, %scan3A_23, %gt3A : i32
      %convert_element_type3A = arith.extui %gt3A_42 : i1 to i32
      %cond3A = arith.constant 0 : i32
      %cond3A_43 = arith.cmpi ne, %convert_element_type3A, %cond3A : i32
      scf.if %cond3A_43 {
        %dma_wait3A_95 = arith.constant 0 : i32
        %dma_wait3A_96 = arith.constant 0 : i32
        %dma_wait3A_97 = tpu.memref_slice %arg4[%dma_wait3A_95, %dma_wait3A_96] : memref<819200x64xf32, #tpu.memory_space<hbm>> -> memref<256x64xf32, #tpu.memory_space<hbm>>
        %dma_wait3A_98 = arith.constant 0 : i32
        %dma_wait3A_99 = arith.constant 0 : i32
        %dma_wait3A_100 = tpu.memref_slice %arg4[%dma_wait3A_98, %dma_wait3A_99] : memref<819200x64xf32, #tpu.memory_space<hbm>> -> memref<256x64xf32, #tpu.memory_space<hbm>>
        tpu.wait_dma2 semaphore(%arg10 : memref<!tpu.dma_semaphore, #tpu.memory_space<semaphore_mem>>) src(%arg6 : memref<256x64xf32, #tpu.memory_space<vmem>>) dst(%dma_wait3A_100 : memref<256x64xf32, #tpu.memory_space<hbm>>)
      } else {
      }
      %scan3A_44 = arith.constant 0 : i32
      %scan3A_45 = arith.constant 0 : i32
      %scan3A_46 = arith.constant 256 : i32
      %scan3A_47 = arith.addi %scan3A_45, %scan3A_46 : i32
      %scan3A_48 = arith.constant 4 : i32
      scf.for %scan3A_95 = %scan3A_45 to %scan3A_47 step %scan3A_48  : i32 {
        %get3A = arith.index_cast %scan3A_95 : i32 to index
        %get3A_96 = arith.constant 0 : index
        %get3A_97 = tpu.vector_load %arg6[%get3A, %get3A_96] {strides = array<i32>} : memref<256x64xf32, #tpu.memory_space<vmem>>, vector<1x16xf32>,
        %get3A_98 = vector.shape_cast %get3A_97 : vector<1x16xf32> to vector<16xf32>
        %mul3A_99 = arith.constant 8.000000e+00 : f32
        %mul3A_100 = vector.broadcast %mul3A_99 : f32 to vector<16xf32>
        %mul3A_101 = arith.mulf %get3A_98, %mul3A_100 : vector<16xf32>
        %swap3A = arith.index_cast %scan3A_95 : i32 to index
        %swap3A_102 = arith.constant 0 : index
        %swap3A_103 = tpu.vector_load %arg6[%swap3A, %swap3A_102] {strides = array<i32>} : memref<256x64xf32, #tpu.memory_space<vmem>>, vector<1x16xf32>,
        %swap3A_104 = vector.shape_cast %swap3A_103 : vector<1x16xf32> to vector<16xf32>
        %swap3A_105 = vector.shape_cast %mul3A_101 : vector<16xf32> to vector<1x16xf32>
        tpu.vector_store %arg6[%swap3A, %swap3A_102], %swap3A_105 {strides = array<i32>} : memref<256x64xf32, #tpu.memory_space<vmem>>, vector<1x16xf32>,
        %get3A_106 = arith.index_cast %scan3A_95 : i32 to index
        %get3A_107 = arith.constant 16 : index
        %get3A_108 = tpu.vector_load %arg6[%get3A_106, %get3A_107] {strides = array<i32>} : memref<256x64xf32, #tpu.memory_space<vmem>>, vector<1x16xf32>,
        %get3A_109 = vector.shape_cast %get3A_108 : vector<1x16xf32> to vector<16xf32>
        %mul3A_110 = arith.constant 8.000000e+00 : f32
        %mul3A_111 = vector.broadcast %mul3A_110 : f32 to vector<16xf32>
        %mul3A_112 = arith.mulf %get3A_109, %mul3A_111 : vector<16xf32>
        %swap3A_113 = arith.index_cast %scan3A_95 : i32 to index
        %swap3A_114 = arith.constant 16 : index
        %swap3A_115 = tpu.vector_load %arg6[%swap3A_113, %swap3A_114] {strides = array<i32>} : memref<256x64xf32, #tpu.memory_space<vmem>>, vector<1x16xf32>,
        %swap3A_116 = vector.shape_cast %swap3A_115 : vector<1x16xf32> to vector<16xf32>
        %swap3A_117 = vector.shape_cast %mul3A_112 : vector<16xf32> to vector<1x16xf32>
        tpu.vector_store %arg6[%swap3A_113, %swap3A_114], %swap3A_117 {strides = array<i32>} : memref<256x64xf32, #tpu.memory_space<vmem>>, vector<1x16xf32>,
        %get3A_118 = arith.index_cast %scan3A_95 : i32 to index
        %get3A_119 = arith.constant 32 : index
        %get3A_120 = tpu.vector_load %arg6[%get3A_118, %get3A_119] {strides = array<i32>} : memref<256x64xf32, #tpu.memory_space<vmem>>, vector<1x16xf32>,
        %get3A_121 = vector.shape_cast %get3A_120 : vector<1x16xf32> to vector<16xf32>
        %mul3A_122 = arith.constant 8.000000e+00 : f32
        %mul3A_123 = vector.broadcast %mul3A_122 : f32 to vector<16xf32>
        %mul3A_124 = arith.mulf %get3A_121, %mul3A_123 : vector<16xf32>
        %swap3A_125 = arith.index_cast %scan3A_95 : i32 to index
        %swap3A_126 = arith.constant 32 : index
        %swap3A_127 = tpu.vector_load %arg6[%swap3A_125, %swap3A_126] {strides = array<i32>} : memref<256x64xf32, #tpu.memory_space<vmem>>, vector<1x16xf32>,
        %swap3A_128 = vector.shape_cast %swap3A_127 : vector<1x16xf32> to vector<16xf32>
        %swap3A_129 = vector.shape_cast %mul3A_124 : vector<16xf32> to vector<1x16xf32>
        tpu.vector_store %arg6[%swap3A_125, %swap3A_126], %swap3A_129 {strides = array<i32>} : memref<256x64xf32, #tpu.memory_space<vmem>>, vector<1x16xf32>,
        %get3A_130 = arith.index_cast %scan3A_95 : i32 to index
        %get3A_131 = arith.constant 48 : index
        %get3A_132 = tpu.vector_load %arg6[%get3A_130, %get3A_131] {strides = array<i32>} : memref<256x64xf32, #tpu.memory_space<vmem>>, vector<1x16xf32>,
        %get3A_133 = vector.shape_cast %get3A_132 : vector<1x16xf32> to vector<16xf32>
        %mul3A_134 = arith.constant 8.000000e+00 : f32
        %mul3A_135 = vector.broadcast %mul3A_134 : f32 to vector<16xf32>
        %mul3A_136 = arith.mulf %get3A_133, %mul3A_135 : vector<16xf32>
        %swap3A_137 = arith.index_cast %scan3A_95 : i32 to index
        %swap3A_138 = arith.constant 48 : index
        %swap3A_139 = tpu.vector_load %arg6[%swap3A_137, %swap3A_138] {strides = array<i32>} : memref<256x64xf32, #tpu.memory_space<vmem>>, vector<1x16xf32>,
        %swap3A_140 = vector.shape_cast %swap3A_139 : vector<1x16xf32> to vector<16xf32>
        %swap3A_141 = vector.shape_cast %mul3A_136 : vector<16xf32> to vector<1x16xf32>
        tpu.vector_store %arg6[%swap3A_137, %swap3A_138], %swap3A_141 {strides = array<i32>} : memref<256x64xf32, #tpu.memory_space<vmem>>, vector<1x16xf32>,
        %scan3A_142 = arith.constant 1 : i32
        %scan3A_143 = arith.addi %scan3A_95, %scan3A_142 : i32
        %get3A_144 = arith.index_cast %scan3A_143 : i32 to index
        %get3A_145 = arith.constant 0 : index
        %get3A_146 = tpu.vector_load %arg6[%get3A_144, %get3A_145] {strides = array<i32>} : memref<256x64xf32, #tpu.memory_space<vmem>>, vector<1x16xf32>,
        %get3A_147 = vector.shape_cast %get3A_146 : vector<1x16xf32> to vector<16xf32>
        %mul3A_148 = arith.constant 8.000000e+00 : f32
        %mul3A_149 = vector.broadcast %mul3A_148 : f32 to vector<16xf32>
        %mul3A_150 = arith.mulf %get3A_147, %mul3A_149 : vector<16xf32>
        %swap3A_151 = arith.index_cast %scan3A_143 : i32 to index
        %swap3A_152 = arith.constant 0 : index
        %swap3A_153 = tpu.vector_load %arg6[%swap3A_151, %swap3A_152] {strides = array<i32>} : memref<256x64xf32, #tpu.memory_space<vmem>>, vector<1x16xf32>,
        %swap3A_154 = vector.shape_cast %swap3A_153 : vector<1x16xf32> to vector<16xf32>
        %swap3A_155 = vector.shape_cast %mul3A_150 : vector<16xf32> to vector<1x16xf32>
        tpu.vector_store %arg6[%swap3A_151, %swap3A_152], %swap3A_155 {strides = array<i32>} : memref<256x64xf32, #tpu.memory_space<vmem>>, vector<1x16xf32>,
        %get3A_156 = arith.index_cast %scan3A_143 : i32 to index
        %get3A_157 = arith.constant 16 : index
        %get3A_158 = tpu.vector_load %arg6[%get3A_156, %get3A_157] {strides = array<i32>} : memref<256x64xf32, #tpu.memory_space<vmem>>, vector<1x16xf32>,
        %get3A_159 = vector.shape_cast %get3A_158 : vector<1x16xf32> to vector<16xf32>
        %mul3A_160 = arith.constant 8.000000e+00 : f32
        %mul3A_161 = vector.broadcast %mul3A_160 : f32 to vector<16xf32>
        %mul3A_162 = arith.mulf %get3A_159, %mul3A_161 : vector<16xf32>
        %swap3A_163 = arith.index_cast %scan3A_143 : i32 to index
        %swap3A_164 = arith.constant 16 : index
        %swap3A_165 = tpu.vector_load %arg6[%swap3A_163, %swap3A_164] {strides = array<i32>} : memref<256x64xf32, #tpu.memory_space<vmem>>, vector<1x16xf32>,
        %swap3A_166 = vector.shape_cast %swap3A_165 : vector<1x16xf32> to vector<16xf32>
        %swap3A_167 = vector.shape_cast %mul3A_162 : vector<16xf32> to vector<1x16xf32>
        tpu.vector_store %arg6[%swap3A_163, %swap3A_164], %swap3A_167 {strides = array<i32>} : memref<256x64xf32, #tpu.memory_space<vmem>>, vector<1x16xf32>,
        %get3A_168 = arith.index_cast %scan3A_143 : i32 to index
        %get3A_169 = arith.constant 32 : index
        %get3A_170 = tpu.vector_load %arg6[%get3A_168, %get3A_169] {strides = array<i32>} : memref<256x64xf32, #tpu.memory_space<vmem>>, vector<1x16xf32>,
        %get3A_171 = vector.shape_cast %get3A_170 : vector<1x16xf32> to vector<16xf32>
        %mul3A_172 = arith.constant 8.000000e+00 : f32
        %mul3A_173 = vector.broadcast %mul3A_172 : f32 to vector<16xf32>
        %mul3A_174 = arith.mulf %get3A_171, %mul3A_173 : vector<16xf32>
        %swap3A_175 = arith.index_cast %scan3A_143 : i32 to index
        %swap3A_176 = arith.constant 32 : index
        %swap3A_177 = tpu.vector_load %arg6[%swap3A_175, %swap3A_176] {strides = array<i32>} : memref<256x64xf32, #tpu.memory_space<vmem>>, vector<1x16xf32>,
        %swap3A_178 = vector.shape_cast %swap3A_177 : vector<1x16xf32> to vector<16xf32>
        %swap3A_179 = vector.shape_cast %mul3A_174 : vector<16xf32> to vector<1x16xf32>
        tpu.vector_store %arg6[%swap3A_175, %swap3A_176], %swap3A_179 {strides = array<i32>} : memref<256x64xf32, #tpu.memory_space<vmem>>, vector<1x16xf32>,
        %get3A_180 = arith.index_cast %scan3A_143 : i32 to index
        %get3A_181 = arith.constant 48 : index
        %get3A_182 = tpu.vector_load %arg6[%get3A_180, %get3A_181] {strides = array<i32>} : memref<256x64xf32, #tpu.memory_space<vmem>>, vector<1x16xf32>,
        %get3A_183 = vector.shape_cast %get3A_182 : vector<1x16xf32> to vector<16xf32>
        %mul3A_184 = arith.constant 8.000000e+00 : f32
        %mul3A_185 = vector.broadcast %mul3A_184 : f32 to vector<16xf32>
        %mul3A_186 = arith.mulf %get3A_183, %mul3A_185 : vector<16xf32>
        %swap3A_187 = arith.index_cast %scan3A_143 : i32 to index
        %swap3A_188 = arith.constant 48 : index
        %swap3A_189 = tpu.vector_load %arg6[%swap3A_187, %swap3A_188] {strides = array<i32>} : memref<256x64xf32, #tpu.memory_space<vmem>>, vector<1x16xf32>,
        %swap3A_190 = vector.shape_cast %swap3A_189 : vector<1x16xf32> to vector<16xf32>
        %swap3A_191 = vector.shape_cast %mul3A_186 : vector<16xf32> to vector<1x16xf32>
        tpu.vector_store %arg6[%swap3A_187, %swap3A_188], %swap3A_191 {strides = array<i32>} : memref<256x64xf32, #tpu.memory_space<vmem>>, vector<1x16xf32>,
        %scan3A_192 = arith.constant 2 : i32
        %scan3A_193 = arith.addi %scan3A_95, %scan3A_192 : i32
        %get3A_194 = arith.index_cast %scan3A_193 : i32 to index
        %get3A_195 = arith.constant 0 : index
        %get3A_196 = tpu.vector_load %arg6[%get3A_194, %get3A_195] {strides = array<i32>} : memref<256x64xf32, #tpu.memory_space<vmem>>, vector<1x16xf32>,
        %get3A_197 = vector.shape_cast %get3A_196 : vector<1x16xf32> to vector<16xf32>
        %mul3A_198 = arith.constant 8.000000e+00 : f32
        %mul3A_199 = vector.broadcast %mul3A_198 : f32 to vector<16xf32>
        %mul3A_200 = arith.mulf %get3A_197, %mul3A_199 : vector<16xf32>
        %swap3A_201 = arith.index_cast %scan3A_193 : i32 to index
        %swap3A_202 = arith.constant 0 : index
        %swap3A_203 = tpu.vector_load %arg6[%swap3A_201, %swap3A_202] {strides = array<i32>} : memref<256x64xf32, #tpu.memory_space<vmem>>, vector<1x16xf32>,
        %swap3A_204 = vector.shape_cast %swap3A_203 : vector<1x16xf32> to vector<16xf32>
        %swap3A_205 = vector.shape_cast %mul3A_200 : vector<16xf32> to vector<1x16xf32>
        tpu.vector_store %arg6[%swap3A_201, %swap3A_202], %swap3A_205 {strides = array<i32>} : memref<256x64xf32, #tpu.memory_space<vmem>>, vector<1x16xf32>,
        %get3A_206 = arith.index_cast %scan3A_193 : i32 to index
        %get3A_207 = arith.constant 16 : index
        %get3A_208 = tpu.vector_load %arg6[%get3A_206, %get3A_207] {strides = array<i32>} : memref<256x64xf32, #tpu.memory_space<vmem>>, vector<1x16xf32>,
        %get3A_209 = vector.shape_cast %get3A_208 : vector<1x16xf32> to vector<16xf32>
        %mul3A_210 = arith.constant 8.000000e+00 : f32
        %mul3A_211 = vector.broadcast %mul3A_210 : f32 to vector<16xf32>
        %mul3A_212 = arith.mulf %get3A_209, %mul3A_211 : vector<16xf32>
        %swap3A_213 = arith.index_cast %scan3A_193 : i32 to index
        %swap3A_214 = arith.constant 16 : index
        %swap3A_215 = tpu.vector_load %arg6[%swap3A_213, %swap3A_214] {strides = array<i32>} : memref<256x64xf32, #tpu.memory_space<vmem>>, vector<1x16xf32>,
        %swap3A_216 = vector.shape_cast %swap3A_215 : vector<1x16xf32> to vector<16xf32>
        %swap3A_217 = vector.shape_cast %mul3A_212 : vector<16xf32> to vector<1x16xf32>
        tpu.vector_store %arg6[%swap3A_213, %swap3A_214], %swap3A_217 {strides = array<i32>} : memref<256x64xf32, #tpu.memory_space<vmem>>, vector<1x16xf32>,
        %get3A_218 = arith.index_cast %scan3A_193 : i32 to index
        %get3A_219 = arith.constant 32 : index
        %get3A_220 = tpu.vector_load %arg6[%get3A_218, %get3A_219] {strides = array<i32>} : memref<256x64xf32, #tpu.memory_space<vmem>>, vector<1x16xf32>,
        %get3A_221 = vector.shape_cast %get3A_220 : vector<1x16xf32> to vector<16xf32>
        %mul3A_222 = arith.constant 8.000000e+00 : f32
        %mul3A_223 = vector.broadcast %mul3A_222 : f32 to vector<16xf32>
        %mul3A_224 = arith.mulf %get3A_221, %mul3A_223 : vector<16xf32>
        %swap3A_225 = arith.index_cast %scan3A_193 : i32 to index
        %swap3A_226 = arith.constant 32 : index
        %swap3A_227 = tpu.vector_load %arg6[%swap3A_225, %swap3A_226] {strides = array<i32>} : memref<256x64xf32, #tpu.memory_space<vmem>>, vector<1x16xf32>,
        %swap3A_228 = vector.shape_cast %swap3A_227 : vector<1x16xf32> to vector<16xf32>
        %swap3A_229 = vector.shape_cast %mul3A_224 : vector<16xf32> to vector<1x16xf32>
        tpu.vector_store %arg6[%swap3A_225, %swap3A_226], %swap3A_229 {strides = array<i32>} : memref<256x64xf32, #tpu.memory_space<vmem>>, vector<1x16xf32>,
        %get3A_230 = arith.index_cast %scan3A_193 : i32 to index
        %get3A_231 = arith.constant 48 : index
        %get3A_232 = tpu.vector_load %arg6[%get3A_230, %get3A_231] {strides = array<i32>} : memref<256x64xf32, #tpu.memory_space<vmem>>, vector<1x16xf32>,
        %get3A_233 = vector.shape_cast %get3A_232 : vector<1x16xf32> to vector<16xf32>
        %mul3A_234 = arith.constant 8.000000e+00 : f32
        %mul3A_235 = vector.broadcast %mul3A_234 : f32 to vector<16xf32>
        %mul3A_236 = arith.mulf %get3A_233, %mul3A_235 : vector<16xf32>
        %swap3A_237 = arith.index_cast %scan3A_193 : i32 to index
        %swap3A_238 = arith.constant 48 : index
        %swap3A_239 = tpu.vector_load %arg6[%swap3A_237, %swap3A_238] {strides = array<i32>} : memref<256x64xf32, #tpu.memory_space<vmem>>, vector<1x16xf32>,
        %swap3A_240 = vector.shape_cast %swap3A_239 : vector<1x16xf32> to vector<16xf32>
        %swap3A_241 = vector.shape_cast %mul3A_236 : vector<16xf32> to vector<1x16xf32>
        tpu.vector_store %arg6[%swap3A_237, %swap3A_238], %swap3A_241 {strides = array<i32>} : memref<256x64xf32, #tpu.memory_space<vmem>>, vector<1x16xf32>,
        %scan3A_242 = arith.constant 3 : i32
        %scan3A_243 = arith.addi %scan3A_95, %scan3A_242 : i32
        %get3A_244 = arith.index_cast %scan3A_243 : i32 to index
        %get3A_245 = arith.constant 0 : index
        %get3A_246 = tpu.vector_load %arg6[%get3A_244, %get3A_245] {strides = array<i32>} : memref<256x64xf32, #tpu.memory_space<vmem>>, vector<1x16xf32>,
        %get3A_247 = vector.shape_cast %get3A_246 : vector<1x16xf32> to vector<16xf32>
        %mul3A_248 = arith.constant 8.000000e+00 : f32
        %mul3A_249 = vector.broadcast %mul3A_248 : f32 to vector<16xf32>
        %mul3A_250 = arith.mulf %get3A_247, %mul3A_249 : vector<16xf32>
        %swap3A_251 = arith.index_cast %scan3A_243 : i32 to index
        %swap3A_252 = arith.constant 0 : index
        %swap3A_253 = tpu.vector_load %arg6[%swap3A_251, %swap3A_252] {strides = array<i32>} : memref<256x64xf32, #tpu.memory_space<vmem>>, vector<1x16xf32>,
        %swap3A_254 = vector.shape_cast %swap3A_253 : vector<1x16xf32> to vector<16xf32>
        %swap3A_255 = vector.shape_cast %mul3A_250 : vector<16xf32> to vector<1x16xf32>
        tpu.vector_store %arg6[%swap3A_251, %swap3A_252], %swap3A_255 {strides = array<i32>} : memref<256x64xf32, #tpu.memory_space<vmem>>, vector<1x16xf32>,
        %get3A_256 = arith.index_cast %scan3A_243 : i32 to index
        %get3A_257 = arith.constant 16 : index
        %get3A_258 = tpu.vector_load %arg6[%get3A_256, %get3A_257] {strides = array<i32>} : memref<256x64xf32, #tpu.memory_space<vmem>>, vector<1x16xf32>,
        %get3A_259 = vector.shape_cast %get3A_258 : vector<1x16xf32> to vector<16xf32>
        %mul3A_260 = arith.constant 8.000000e+00 : f32
        %mul3A_261 = vector.broadcast %mul3A_260 : f32 to vector<16xf32>
        %mul3A_262 = arith.mulf %get3A_259, %mul3A_261 : vector<16xf32>
        %swap3A_263 = arith.index_cast %scan3A_243 : i32 to index
        %swap3A_264 = arith.constant 16 : index
        %swap3A_265 = tpu.vector_load %arg6[%swap3A_263, %swap3A_264] {strides = array<i32>} : memref<256x64xf32, #tpu.memory_space<vmem>>, vector<1x16xf32>,
        %swap3A_266 = vector.shape_cast %swap3A_265 : vector<1x16xf32> to vector<16xf32>
        %swap3A_267 = vector.shape_cast %mul3A_262 : vector<16xf32> to vector<1x16xf32>
        tpu.vector_store %arg6[%swap3A_263, %swap3A_264], %swap3A_267 {strides = array<i32>} : memref<256x64xf32, #tpu.memory_space<vmem>>, vector<1x16xf32>,
        %get3A_268 = arith.index_cast %scan3A_243 : i32 to index
        %get3A_269 = arith.constant 32 : index
        %get3A_270 = tpu.vector_load %arg6[%get3A_268, %get3A_269] {strides = array<i32>} : memref<256x64xf32, #tpu.memory_space<vmem>>, vector<1x16xf32>,
        %get3A_271 = vector.shape_cast %get3A_270 : vector<1x16xf32> to vector<16xf32>
        %mul3A_272 = arith.constant 8.000000e+00 : f32
        %mul3A_273 = vector.broadcast %mul3A_272 : f32 to vector<16xf32>
        %mul3A_274 = arith.mulf %get3A_271, %mul3A_273 : vector<16xf32>
        %swap3A_275 = arith.index_cast %scan3A_243 : i32 to index
        %swap3A_276 = arith.constant 32 : index
        %swap3A_277 = tpu.vector_load %arg6[%swap3A_275, %swap3A_276] {strides = array<i32>} : memref<256x64xf32, #tpu.memory_space<vmem>>, vector<1x16xf32>,
        %swap3A_278 = vector.shape_cast %swap3A_277 : vector<1x16xf32> to vector<16xf32>
        %swap3A_279 = vector.shape_cast %mul3A_274 : vector<16xf32> to vector<1x16xf32>
        tpu.vector_store %arg6[%swap3A_275, %swap3A_276], %swap3A_279 {strides = array<i32>} : memref<256x64xf32, #tpu.memory_space<vmem>>, vector<1x16xf32>,
        %get3A_280 = arith.index_cast %scan3A_243 : i32 to index
        %get3A_281 = arith.constant 48 : index
        %get3A_282 = tpu.vector_load %arg6[%get3A_280, %get3A_281] {strides = array<i32>} : memref<256x64xf32, #tpu.memory_space<vmem>>, vector<1x16xf32>,
        %get3A_283 = vector.shape_cast %get3A_282 : vector<1x16xf32> to vector<16xf32>
        %mul3A_284 = arith.constant 8.000000e+00 : f32
        %mul3A_285 = vector.broadcast %mul3A_284 : f32 to vector<16xf32>
        %mul3A_286 = arith.mulf %get3A_283, %mul3A_285 : vector<16xf32>
        %swap3A_287 = arith.index_cast %scan3A_243 : i32 to index
        %swap3A_288 = arith.constant 48 : index
        %swap3A_289 = tpu.vector_load %arg6[%swap3A_287, %swap3A_288] {strides = array<i32>} : memref<256x64xf32, #tpu.memory_space<vmem>>, vector<1x16xf32>,
        %swap3A_290 = vector.shape_cast %swap3A_289 : vector<1x16xf32> to vector<16xf32>
        %swap3A_291 = vector.shape_cast %mul3A_286 : vector<16xf32> to vector<1x16xf32>
        tpu.vector_store %arg6[%swap3A_287, %swap3A_288], %swap3A_291 {strides = array<i32>} : memref<256x64xf32, #tpu.memory_space<vmem>>, vector<1x16xf32>,
      }
      %scan3A_49 = arith.constant 256 : i32
      %mul3A_50 = arith.constant 2 : i32
      %mul3A_51 = arith.muli %mul3A_50, %scan3A_23 : i32
      %mul3A_52 = arith.constant 256 : i32
      %mul3A_53 = arith.muli %mul3A_51, %mul3A_52 : i32
      %add3A_54 = arith.addi %mul3A_2, %mul3A_53 : i32
      %dma_start3A_55 = arith.constant 0 : i32
      %dma_start3A_56 = tpu.memref_slice %arg4[%add3A_54, %dma_start3A_55] : memref<819200x64xf32, #tpu.memory_space<hbm>> -> memref<256x64xf32, #tpu.memory_space<hbm>>
      %dma_start3A_57 = arith.constant 0 : i32
      %dma_start3A_58 = tpu.memref_slice %arg4[%add3A_54, %dma_start3A_57] : memref<819200x64xf32, #tpu.memory_space<hbm>> -> memref<256x64xf32, #tpu.memory_space<hbm>>
      tpu.enqueue_dma source(%arg6 : memref<256x64xf32, #tpu.memory_space<vmem>>) target(%dma_start3A_58 : memref<256x64xf32, #tpu.memory_space<hbm>>) target_semaphore(%arg10 : memref<!tpu.dma_semaphore, #tpu.memory_space<semaphore_mem>>)
      %lt3A = arith.constant 49 : i32
      %lt3A_59 = arith.cmpi slt, %scan3A_23, %lt3A : i32
      %convert_element_type3A_60 = arith.extui %lt3A_59 : i1 to i32
      %cond3A_61 = arith.constant 0 : i32
      %cond3A_62 = arith.cmpi ne, %convert_element_type3A_60, %cond3A_61 : i32
      scf.if %cond3A_62 {
        %mul3A_95 = arith.constant 2 : i32
        %mul3A_96 = arith.muli %mul3A_95, %scan3A_23 : i32
        %add3A_97 = arith.constant 2 : i32
        %add3A_98 = arith.addi %mul3A_96, %add3A_97 : i32
        %mul3A_99 = arith.constant 256 : i32
        %mul3A_100 = arith.muli %add3A_98, %mul3A_99 : i32
        %dma_start3A_101 = tpu.memref_slice %arg5[%mul3A_100] : memref<25600xi32, #tpu.memory_space<vmem>> -> memref<256xi32, #tpu.memory_space<vmem>>
        %dma_start3A_102 = arith.constant 0 : i32
        %dma_start3A_103 = arith.constant 0 : i32
        %dma_start3A_104 = tpu.memref_slice %arg3[%dma_start3A_102, %dma_start3A_103] : memref<1000000x64xf32, #tpu.memory_space<hbm>> -> memref<1000000x64xf32, #tpu.memory_space<hbm>>
        tpu.enqueue_indirect_dma source(%dma_start3A_104 : memref<1000000x64xf32, #tpu.memory_space<hbm>>) target(%arg6 : memref<256x64xf32, #tpu.memory_space<vmem>>) offsets(%dma_start3A_101 : memref<256xi32, #tpu.memory_space<vmem>>) semaphore(%arg8 : memref<!tpu.dma_semaphore, #tpu.memory_space<semaphore_mem>>)
      } else {
      }
      %mul3A_63 = arith.constant 2 : i32
      %mul3A_64 = arith.muli %mul3A_63, %scan3A_23 : i32
      %add3A_65 = arith.constant 1 : i32
      %add3A_66 = arith.addi %mul3A_64, %add3A_65 : i32
      %mul3A_67 = arith.constant 256 : i32
      %mul3A_68 = arith.muli %add3A_66, %mul3A_67 : i32
      %dma_wait3A_69 = tpu.memref_slice %arg5[%mul3A_68] : memref<25600xi32, #tpu.memory_space<vmem>> -> memref<256xi32, #tpu.memory_space<vmem>>
      %dma_wait3A_70 = arith.constant 0 : i32
      %dma_wait3A_71 = arith.constant 0 : i32
      %dma_wait3A_72 = tpu.memref_slice %arg3[%dma_wait3A_70, %dma_wait3A_71] : memref<1000000x64xf32, #tpu.memory_space<hbm>> -> memref<1000000x64xf32, #tpu.memory_space<hbm>>
      tpu.wait_indirect_dma semaphore(%arg9 : memref<!tpu.dma_semaphore, #tpu.memory_space<semaphore_mem>>) src(%dma_wait3A_72 : memref<1000000x64xf32, #tpu.memory_space<hbm>>) dst(%arg7 : memref<256x64xf32, #tpu.memory_space<vmem>>)
      %gt3A_73 = arith.constant 0 : i32
      %gt3A_74 = arith.cmpi sgt, %scan3A_23, %gt3A_73 : i32
      %convert_element_type3A_75 = arith.extui %gt3A_74 : i1 to i32
      %cond3A_76 = arith.constant 0 : i32
      %cond3A_77 = arith.cmpi ne, %convert_element_type3A_75, %cond3A_76 : i32
      scf.if %cond3A_77 {
        %dma_wait3A_95 = arith.constant 0 : i32
        %dma_wait3A_96 = arith.constant 0 : i32
        %dma_wait3A_97 = tpu.memref_slice %arg4[%dma_wait3A_95, %dma_wait3A_96] : memref<819200x64xf32, #tpu.memory_space<hbm>> -> memref<256x64xf32, #tpu.memory_space<hbm>>
        %dma_wait3A_98 = arith.constant 0 : i32
        %dma_wait3A_99 = arith.constant 0 : i32
        %dma_wait3A_100 = tpu.memref_slice %arg4[%dma_wait3A_98, %dma_wait3A_99] : memref<819200x64xf32, #tpu.memory_space<hbm>> -> memref<256x64xf32, #tpu.memory_space<hbm>>
        tpu.wait_dma2 semaphore(%arg11 : memref<!tpu.dma_semaphore, #tpu.memory_space<semaphore_mem>>) src(%arg7 : memref<256x64xf32, #tpu.memory_space<vmem>>) dst(%dma_wait3A_100 : memref<256x64xf32, #tpu.memory_space<hbm>>)
      } else {
      }
      %scan3A_78 = arith.constant 0 : i32
      %scan3A_79 = arith.constant 0 : i32
      %scan3A_80 = arith.constant 256 : i32
      %scan3A_81 = arith.addi %scan3A_79, %scan3A_80 : i32
      %scan3A_82 = arith.constant 4 : i32
      scf.for %scan3A_95 = %scan3A_79 to %scan3A_81 step %scan3A_82  : i32 {
        %get3A = arith.index_cast %scan3A_95 : i32 to index
        %get3A_96 = arith.constant 0 : index
        %get3A_97 = tpu.vector_load %arg7[%get3A, %get3A_96] {strides = array<i32>} : memref<256x64xf32, #tpu.memory_space<vmem>>, vector<1x16xf32>,
        %get3A_98 = vector.shape_cast %get3A_97 : vector<1x16xf32> to vector<16xf32>
        %mul3A_99 = arith.constant 8.000000e+00 : f32
        %mul3A_100 = vector.broadcast %mul3A_99 : f32 to vector<16xf32>
        %mul3A_101 = arith.mulf %get3A_98, %mul3A_100 : vector<16xf32>
        %swap3A = arith.index_cast %scan3A_95 : i32 to index
        %swap3A_102 = arith.constant 0 : index
        %swap3A_103 = tpu.vector_load %arg7[%swap3A, %swap3A_102] {strides = array<i32>} : memref<256x64xf32, #tpu.memory_space<vmem>>, vector<1x16xf32>,
        %swap3A_104 = vector.shape_cast %swap3A_103 : vector<1x16xf32> to vector<16xf32>
        %swap3A_105 = vector.shape_cast %mul3A_101 : vector<16xf32> to vector<1x16xf32>
        tpu.vector_store %arg7[%swap3A, %swap3A_102], %swap3A_105 {strides = array<i32>} : memref<256x64xf32, #tpu.memory_space<vmem>>, vector<1x16xf32>,
        %get3A_106 = arith.index_cast %scan3A_95 : i32 to index
        %get3A_107 = arith.constant 16 : index
        %get3A_108 = tpu.vector_load %arg7[%get3A_106, %get3A_107] {strides = array<i32>} : memref<256x64xf32, #tpu.memory_space<vmem>>, vector<1x16xf32>,
        %get3A_109 = vector.shape_cast %get3A_108 : vector<1x16xf32> to vector<16xf32>
        %mul3A_110 = arith.constant 8.000000e+00 : f32
        %mul3A_111 = vector.broadcast %mul3A_110 : f32 to vector<16xf32>
        %mul3A_112 = arith.mulf %get3A_109, %mul3A_111 : vector<16xf32>
        %swap3A_113 = arith.index_cast %scan3A_95 : i32 to index
        %swap3A_114 = arith.constant 16 : index
        %swap3A_115 = tpu.vector_load %arg7[%swap3A_113, %swap3A_114] {strides = array<i32>} : memref<256x64xf32, #tpu.memory_space<vmem>>, vector<1x16xf32>,
        %swap3A_116 = vector.shape_cast %swap3A_115 : vector<1x16xf32> to vector<16xf32>
        %swap3A_117 = vector.shape_cast %mul3A_112 : vector<16xf32> to vector<1x16xf32>
        tpu.vector_store %arg7[%swap3A_113, %swap3A_114], %swap3A_117 {strides = array<i32>} : memref<256x64xf32, #tpu.memory_space<vmem>>, vector<1x16xf32>,
        %get3A_118 = arith.index_cast %scan3A_95 : i32 to index
        %get3A_119 = arith.constant 32 : index
        %get3A_120 = tpu.vector_load %arg7[%get3A_118, %get3A_119] {strides = array<i32>} : memref<256x64xf32, #tpu.memory_space<vmem>>, vector<1x16xf32>,
        %get3A_121 = vector.shape_cast %get3A_120 : vector<1x16xf32> to vector<16xf32>
        %mul3A_122 = arith.constant 8.000000e+00 : f32
        %mul3A_123 = vector.broadcast %mul3A_122 : f32 to vector<16xf32>
        %mul3A_124 = arith.mulf %get3A_121, %mul3A_123 : vector<16xf32>
        %swap3A_125 = arith.index_cast %scan3A_95 : i32 to index
        %swap3A_126 = arith.constant 32 : index
        %swap3A_127 = tpu.vector_load %arg7[%swap3A_125, %swap3A_126] {strides = array<i32>} : memref<256x64xf32, #tpu.memory_space<vmem>>, vector<1x16xf32>,
        %swap3A_128 = vector.shape_cast %swap3A_127 : vector<1x16xf32> to vector<16xf32>
        %swap3A_129 = vector.shape_cast %mul3A_124 : vector<16xf32> to vector<1x16xf32>
        tpu.vector_store %arg7[%swap3A_125, %swap3A_126], %swap3A_129 {strides = array<i32>} : memref<256x64xf32, #tpu.memory_space<vmem>>, vector<1x16xf32>,
        %get3A_130 = arith.index_cast %scan3A_95 : i32 to index
        %get3A_131 = arith.constant 48 : index
        %get3A_132 = tpu.vector_load %arg7[%get3A_130, %get3A_131] {strides = array<i32>} : memref<256x64xf32, #tpu.memory_space<vmem>>, vector<1x16xf32>,
        %get3A_133 = vector.shape_cast %get3A_132 : vector<1x16xf32> to vector<16xf32>
        %mul3A_134 = arith.constant 8.000000e+00 : f32
        %mul3A_135 = vector.broadcast %mul3A_134 : f32 to vector<16xf32>
        %mul3A_136 = arith.mulf %get3A_133, %mul3A_135 : vector<16xf32>
        %swap3A_137 = arith.index_cast %scan3A_95 : i32 to index
        %swap3A_138 = arith.constant 48 : index
        %swap3A_139 = tpu.vector_load %arg7[%swap3A_137, %swap3A_138] {strides = array<i32>} : memref<256x64xf32, #tpu.memory_space<vmem>>, vector<1x16xf32>,
        %swap3A_140 = vector.shape_cast %swap3A_139 : vector<1x16xf32> to vector<16xf32>
        %swap3A_141 = vector.shape_cast %mul3A_136 : vector<16xf32> to vector<1x16xf32>
        tpu.vector_store %arg7[%swap3A_137, %swap3A_138], %swap3A_141 {strides = array<i32>} : memref<256x64xf32, #tpu.memory_space<vmem>>, vector<1x16xf32>,
        %scan3A_142 = arith.constant 1 : i32
        %scan3A_143 = arith.addi %scan3A_95, %scan3A_142 : i32
        %get3A_144 = arith.index_cast %scan3A_143 : i32 to index
        %get3A_145 = arith.constant 0 : index
        %get3A_146 = tpu.vector_load %arg7[%get3A_144, %get3A_145] {strides = array<i32>} : memref<256x64xf32, #tpu.memory_space<vmem>>, vector<1x16xf32>,
        %get3A_147 = vector.shape_cast %get3A_146 : vector<1x16xf32> to vector<16xf32>
        %mul3A_148 = arith.constant 8.000000e+00 : f32
        %mul3A_149 = vector.broadcast %mul3A_148 : f32 to vector<16xf32>
        %mul3A_150 = arith.mulf %get3A_147, %mul3A_149 : vector<16xf32>
        %swap3A_151 = arith.index_cast %scan3A_143 : i32 to index
        %swap3A_152 = arith.constant 0 : index
        %swap3A_153 = tpu.vector_load %arg7[%swap3A_151, %swap3A_152] {strides = array<i32>} : memref<256x64xf32, #tpu.memory_space<vmem>>, vector<1x16xf32>,
        %swap3A_154 = vector.shape_cast %swap3A_153 : vector<1x16xf32> to vector<16xf32>
        %swap3A_155 = vector.shape_cast %mul3A_150 : vector<16xf32> to vector<1x16xf32>
        tpu.vector_store %arg7[%swap3A_151, %swap3A_152], %swap3A_155 {strides = array<i32>} : memref<256x64xf32, #tpu.memory_space<vmem>>, vector<1x16xf32>,
        %get3A_156 = arith.index_cast %scan3A_143 : i32 to index
        %get3A_157 = arith.constant 16 : index
        %get3A_158 = tpu.vector_load %arg7[%get3A_156, %get3A_157] {strides = array<i32>} : memref<256x64xf32, #tpu.memory_space<vmem>>, vector<1x16xf32>,
        %get3A_159 = vector.shape_cast %get3A_158 : vector<1x16xf32> to vector<16xf32>
        %mul3A_160 = arith.constant 8.000000e+00 : f32
        %mul3A_161 = vector.broadcast %mul3A_160 : f32 to vector<16xf32>
        %mul3A_162 = arith.mulf %get3A_159, %mul3A_161 : vector<16xf32>
        %swap3A_163 = arith.index_cast %scan3A_143 : i32 to index
        %swap3A_164 = arith.constant 16 : index
        %swap3A_165 = tpu.vector_load %arg7[%swap3A_163, %swap3A_164] {strides = array<i32>} : memref<256x64xf32, #tpu.memory_space<vmem>>, vector<1x16xf32>,
        %swap3A_166 = vector.shape_cast %swap3A_165 : vector<1x16xf32> to vector<16xf32>
        %swap3A_167 = vector.shape_cast %mul3A_162 : vector<16xf32> to vector<1x16xf32>
        tpu.vector_store %arg7[%swap3A_163, %swap3A_164], %swap3A_167 {strides = array<i32>} : memref<256x64xf32, #tpu.memory_space<vmem>>, vector<1x16xf32>,
        %get3A_168 = arith.index_cast %scan3A_143 : i32 to index
        %get3A_169 = arith.constant 32 : index
        %get3A_170 = tpu.vector_load %arg7[%get3A_168, %get3A_169] {strides = array<i32>} : memref<256x64xf32, #tpu.memory_space<vmem>>, vector<1x16xf32>,
        %get3A_171 = vector.shape_cast %get3A_170 : vector<1x16xf32> to vector<16xf32>
        %mul3A_172 = arith.constant 8.000000e+00 : f32
        %mul3A_173 = vector.broadcast %mul3A_172 : f32 to vector<16xf32>
        %mul3A_174 = arith.mulf %get3A_171, %mul3A_173 : vector<16xf32>
        %swap3A_175 = arith.index_cast %scan3A_143 : i32 to index
        %swap3A_176 = arith.constant 32 : index
        %swap3A_177 = tpu.vector_load %arg7[%swap3A_175, %swap3A_176] {strides = array<i32>} : memref<256x64xf32, #tpu.memory_space<vmem>>, vector<1x16xf32>,
        %swap3A_178 = vector.shape_cast %swap3A_177 : vector<1x16xf32> to vector<16xf32>
        %swap3A_179 = vector.shape_cast %mul3A_174 : vector<16xf32> to vector<1x16xf32>
        tpu.vector_store %arg7[%swap3A_175, %swap3A_176], %swap3A_179 {strides = array<i32>} : memref<256x64xf32, #tpu.memory_space<vmem>>, vector<1x16xf32>,
        %get3A_180 = arith.index_cast %scan3A_143 : i32 to index
        %get3A_181 = arith.constant 48 : index
        %get3A_182 = tpu.vector_load %arg7[%get3A_180, %get3A_181] {strides = array<i32>} : memref<256x64xf32, #tpu.memory_space<vmem>>, vector<1x16xf32>,
        %get3A_183 = vector.shape_cast %get3A_182 : vector<1x16xf32> to vector<16xf32>
        %mul3A_184 = arith.constant 8.000000e+00 : f32
        %mul3A_185 = vector.broadcast %mul3A_184 : f32 to vector<16xf32>
        %mul3A_186 = arith.mulf %get3A_183, %mul3A_185 : vector<16xf32>
        %swap3A_187 = arith.index_cast %scan3A_143 : i32 to index
        %swap3A_188 = arith.constant 48 : index
        %swap3A_189 = tpu.vector_load %arg7[%swap3A_187, %swap3A_188] {strides = array<i32>} : memref<256x64xf32, #tpu.memory_space<vmem>>, vector<1x16xf32>,
        %swap3A_190 = vector.shape_cast %swap3A_189 : vector<1x16xf32> to vector<16xf32>
        %swap3A_191 = vector.shape_cast %mul3A_186 : vector<16xf32> to vector<1x16xf32>
        tpu.vector_store %arg7[%swap3A_187, %swap3A_188], %swap3A_191 {strides = array<i32>} : memref<256x64xf32, #tpu.memory_space<vmem>>, vector<1x16xf32>,
        %scan3A_192 = arith.constant 2 : i32
        %scan3A_193 = arith.addi %scan3A_95, %scan3A_192 : i32
        %get3A_194 = arith.index_cast %scan3A_193 : i32 to index
        %get3A_195 = arith.constant 0 : index
        %get3A_196 = tpu.vector_load %arg7[%get3A_194, %get3A_195] {strides = array<i32>} : memref<256x64xf32, #tpu.memory_space<vmem>>, vector<1x16xf32>,
        %get3A_197 = vector.shape_cast %get3A_196 : vector<1x16xf32> to vector<16xf32>
        %mul3A_198 = arith.constant 8.000000e+00 : f32
        %mul3A_199 = vector.broadcast %mul3A_198 : f32 to vector<16xf32>
        %mul3A_200 = arith.mulf %get3A_197, %mul3A_199 : vector<16xf32>
        %swap3A_201 = arith.index_cast %scan3A_193 : i32 to index
        %swap3A_202 = arith.constant 0 : index
        %swap3A_203 = tpu.vector_load %arg7[%swap3A_201, %swap3A_202] {strides = array<i32>} : memref<256x64xf32, #tpu.memory_space<vmem>>, vector<1x16xf32>,
        %swap3A_204 = vector.shape_cast %swap3A_203 : vector<1x16xf32> to vector<16xf32>
        %swap3A_205 = vector.shape_cast %mul3A_200 : vector<16xf32> to vector<1x16xf32>
        tpu.vector_store %arg7[%swap3A_201, %swap3A_202], %swap3A_205 {strides = array<i32>} : memref<256x64xf32, #tpu.memory_space<vmem>>, vector<1x16xf32>,
        %get3A_206 = arith.index_cast %scan3A_193 : i32 to index
        %get3A_207 = arith.constant 16 : index
        %get3A_208 = tpu.vector_load %arg7[%get3A_206, %get3A_207] {strides = array<i32>} : memref<256x64xf32, #tpu.memory_space<vmem>>, vector<1x16xf32>,
        %get3A_209 = vector.shape_cast %get3A_208 : vector<1x16xf32> to vector<16xf32>
        %mul3A_210 = arith.constant 8.000000e+00 : f32
        %mul3A_211 = vector.broadcast %mul3A_210 : f32 to vector<16xf32>
        %mul3A_212 = arith.mulf %get3A_209, %mul3A_211 : vector<16xf32>
        %swap3A_213 = arith.index_cast %scan3A_193 : i32 to index
        %swap3A_214 = arith.constant 16 : index
        %swap3A_215 = tpu.vector_load %arg7[%swap3A_213, %swap3A_214] {strides = array<i32>} : memref<256x64xf32, #tpu.memory_space<vmem>>, vector<1x16xf32>,
        %swap3A_216 = vector.shape_cast %swap3A_215 : vector<1x16xf32> to vector<16xf32>
        %swap3A_217 = vector.shape_cast %mul3A_212 : vector<16xf32> to vector<1x16xf32>
        tpu.vector_store %arg7[%swap3A_213, %swap3A_214], %swap3A_217 {strides = array<i32>} : memref<256x64xf32, #tpu.memory_space<vmem>>, vector<1x16xf32>,
        %get3A_218 = arith.index_cast %scan3A_193 : i32 to index
        %get3A_219 = arith.constant 32 : index
        %get3A_220 = tpu.vector_load %arg7[%get3A_218, %get3A_219] {strides = array<i32>} : memref<256x64xf32, #tpu.memory_space<vmem>>, vector<1x16xf32>,
        %get3A_221 = vector.shape_cast %get3A_220 : vector<1x16xf32> to vector<16xf32>
        %mul3A_222 = arith.constant 8.000000e+00 : f32
        %mul3A_223 = vector.broadcast %mul3A_222 : f32 to vector<16xf32>
        %mul3A_224 = arith.mulf %get3A_221, %mul3A_223 : vector<16xf32>
        %swap3A_225 = arith.index_cast %scan3A_193 : i32 to index
        %swap3A_226 = arith.constant 32 : index
        %swap3A_227 = tpu.vector_load %arg7[%swap3A_225, %swap3A_226] {strides = array<i32>} : memref<256x64xf32, #tpu.memory_space<vmem>>, vector<1x16xf32>,
        %swap3A_228 = vector.shape_cast %swap3A_227 : vector<1x16xf32> to vector<16xf32>
        %swap3A_229 = vector.shape_cast %mul3A_224 : vector<16xf32> to vector<1x16xf32>
        tpu.vector_store %arg7[%swap3A_225, %swap3A_226], %swap3A_229 {strides = array<i32>} : memref<256x64xf32, #tpu.memory_space<vmem>>, vector<1x16xf32>,
        %get3A_230 = arith.index_cast %scan3A_193 : i32 to index
        %get3A_231 = arith.constant 48 : index
        %get3A_232 = tpu.vector_load %arg7[%get3A_230, %get3A_231] {strides = array<i32>} : memref<256x64xf32, #tpu.memory_space<vmem>>, vector<1x16xf32>,
        %get3A_233 = vector.shape_cast %get3A_232 : vector<1x16xf32> to vector<16xf32>
        %mul3A_234 = arith.constant 8.000000e+00 : f32
        %mul3A_235 = vector.broadcast %mul3A_234 : f32 to vector<16xf32>
        %mul3A_236 = arith.mulf %get3A_233, %mul3A_235 : vector<16xf32>
        %swap3A_237 = arith.index_cast %scan3A_193 : i32 to index
        %swap3A_238 = arith.constant 48 : index
        %swap3A_239 = tpu.vector_load %arg7[%swap3A_237, %swap3A_238] {strides = array<i32>} : memref<256x64xf32, #tpu.memory_space<vmem>>, vector<1x16xf32>,
        %swap3A_240 = vector.shape_cast %swap3A_239 : vector<1x16xf32> to vector<16xf32>
        %swap3A_241 = vector.shape_cast %mul3A_236 : vector<16xf32> to vector<1x16xf32>
        tpu.vector_store %arg7[%swap3A_237, %swap3A_238], %swap3A_241 {strides = array<i32>} : memref<256x64xf32, #tpu.memory_space<vmem>>, vector<1x16xf32>,
        %scan3A_242 = arith.constant 3 : i32
        %scan3A_243 = arith.addi %scan3A_95, %scan3A_242 : i32
        %get3A_244 = arith.index_cast %scan3A_243 : i32 to index
        %get3A_245 = arith.constant 0 : index
        %get3A_246 = tpu.vector_load %arg7[%get3A_244, %get3A_245] {strides = array<i32>} : memref<256x64xf32, #tpu.memory_space<vmem>>, vector<1x16xf32>,
        %get3A_247 = vector.shape_cast %get3A_246 : vector<1x16xf32> to vector<16xf32>
        %mul3A_248 = arith.constant 8.000000e+00 : f32
        %mul3A_249 = vector.broadcast %mul3A_248 : f32 to vector<16xf32>
        %mul3A_250 = arith.mulf %get3A_247, %mul3A_249 : vector<16xf32>
        %swap3A_251 = arith.index_cast %scan3A_243 : i32 to index
        %swap3A_252 = arith.constant 0 : index
        %swap3A_253 = tpu.vector_load %arg7[%swap3A_251, %swap3A_252] {strides = array<i32>} : memref<256x64xf32, #tpu.memory_space<vmem>>, vector<1x16xf32>,
        %swap3A_254 = vector.shape_cast %swap3A_253 : vector<1x16xf32> to vector<16xf32>
        %swap3A_255 = vector.shape_cast %mul3A_250 : vector<16xf32> to vector<1x16xf32>
        tpu.vector_store %arg7[%swap3A_251, %swap3A_252], %swap3A_255 {strides = array<i32>} : memref<256x64xf32, #tpu.memory_space<vmem>>, vector<1x16xf32>,
        %get3A_256 = arith.index_cast %scan3A_243 : i32 to index
        %get3A_257 = arith.constant 16 : index
        %get3A_258 = tpu.vector_load %arg7[%get3A_256, %get3A_257] {strides = array<i32>} : memref<256x64xf32, #tpu.memory_space<vmem>>, vector<1x16xf32>,
        %get3A_259 = vector.shape_cast %get3A_258 : vector<1x16xf32> to vector<16xf32>
        %mul3A_260 = arith.constant 8.000000e+00 : f32
        %mul3A_261 = vector.broadcast %mul3A_260 : f32 to vector<16xf32>
        %mul3A_262 = arith.mulf %get3A_259, %mul3A_261 : vector<16xf32>
        %swap3A_263 = arith.index_cast %scan3A_243 : i32 to index
        %swap3A_264 = arith.constant 16 : index
        %swap3A_265 = tpu.vector_load %arg7[%swap3A_263, %swap3A_264] {strides = array<i32>} : memref<256x64xf32, #tpu.memory_space<vmem>>, vector<1x16xf32>,
        %swap3A_266 = vector.shape_cast %swap3A_265 : vector<1x16xf32> to vector<16xf32>
        %swap3A_267 = vector.shape_cast %mul3A_262 : vector<16xf32> to vector<1x16xf32>
        tpu.vector_store %arg7[%swap3A_263, %swap3A_264], %swap3A_267 {strides = array<i32>} : memref<256x64xf32, #tpu.memory_space<vmem>>, vector<1x16xf32>,
        %get3A_268 = arith.index_cast %scan3A_243 : i32 to index
        %get3A_269 = arith.constant 32 : index
        %get3A_270 = tpu.vector_load %arg7[%get3A_268, %get3A_269] {strides = array<i32>} : memref<256x64xf32, #tpu.memory_space<vmem>>, vector<1x16xf32>,
        %get3A_271 = vector.shape_cast %get3A_270 : vector<1x16xf32> to vector<16xf32>
        %mul3A_272 = arith.constant 8.000000e+00 : f32
        %mul3A_273 = vector.broadcast %mul3A_272 : f32 to vector<16xf32>
        %mul3A_274 = arith.mulf %get3A_271, %mul3A_273 : vector<16xf32>
        %swap3A_275 = arith.index_cast %scan3A_243 : i32 to index
        %swap3A_276 = arith.constant 32 : index
        %swap3A_277 = tpu.vector_load %arg7[%swap3A_275, %swap3A_276] {strides = array<i32>} : memref<256x64xf32, #tpu.memory_space<vmem>>, vector<1x16xf32>,
        %swap3A_278 = vector.shape_cast %swap3A_277 : vector<1x16xf32> to vector<16xf32>
        %swap3A_279 = vector.shape_cast %mul3A_274 : vector<16xf32> to vector<1x16xf32>
        tpu.vector_store %arg7[%swap3A_275, %swap3A_276], %swap3A_279 {strides = array<i32>} : memref<256x64xf32, #tpu.memory_space<vmem>>, vector<1x16xf32>,
        %get3A_280 = arith.index_cast %scan3A_243 : i32 to index
        %get3A_281 = arith.constant 48 : index
        %get3A_282 = tpu.vector_load %arg7[%get3A_280, %get3A_281] {strides = array<i32>} : memref<256x64xf32, #tpu.memory_space<vmem>>, vector<1x16xf32>,
        %get3A_283 = vector.shape_cast %get3A_282 : vector<1x16xf32> to vector<16xf32>
        %mul3A_284 = arith.constant 8.000000e+00 : f32
        %mul3A_285 = vector.broadcast %mul3A_284 : f32 to vector<16xf32>
        %mul3A_286 = arith.mulf %get3A_283, %mul3A_285 : vector<16xf32>
        %swap3A_287 = arith.index_cast %scan3A_243 : i32 to index
        %swap3A_288 = arith.constant 48 : index
        %swap3A_289 = tpu.vector_load %arg7[%swap3A_287, %swap3A_288] {strides = array<i32>} : memref<256x64xf32, #tpu.memory_space<vmem>>, vector<1x16xf32>,
        %swap3A_290 = vector.shape_cast %swap3A_289 : vector<1x16xf32> to vector<16xf32>
        %swap3A_291 = vector.shape_cast %mul3A_286 : vector<16xf32> to vector<1x16xf32>
        tpu.vector_store %arg7[%swap3A_287, %swap3A_288], %swap3A_291 {strides = array<i32>} : memref<256x64xf32, #tpu.memory_space<vmem>>, vector<1x16xf32>,
      }
      %scan3A_83 = arith.constant 256 : i32
      %mul3A_84 = arith.constant 2 : i32
      %mul3A_85 = arith.muli %mul3A_84, %scan3A_23 : i32
      %add3A_86 = arith.constant 1 : i32
      %add3A_87 = arith.addi %mul3A_85, %add3A_86 : i32
      %mul3A_88 = arith.constant 256 : i32
      %mul3A_89 = arith.muli %add3A_87, %mul3A_88 : i32
      %add3A_90 = arith.addi %mul3A_2, %mul3A_89 : i32
      %dma_start3A_91 = arith.constant 0 : i32
      %dma_start3A_92 = tpu.memref_slice %arg4[%add3A_90, %dma_start3A_91] : memref<819200x64xf32, #tpu.memory_space<hbm>> -> memref<256x64xf32, #tpu.memory_space<hbm>>
      %dma_start3A_93 = arith.constant 0 : i32
      %dma_start3A_94 = tpu.memref_slice %arg4[%add3A_90, %dma_start3A_93] : memref<819200x64xf32, #tpu.memory_space<hbm>> -> memref<256x64xf32, #tpu.memory_space<hbm>>
      tpu.enqueue_dma source(%arg7 : memref<256x64xf32, #tpu.memory_space<vmem>>) target(%dma_start3A_94 : memref<256x64xf32, #tpu.memory_space<hbm>>) target_semaphore(%arg11 : memref<!tpu.dma_semaphore, #tpu.memory_space<semaphore_mem>>)
    }
    %scan3A_11 = arith.constant 50 : i32
    %dma_wait3A = arith.constant 0 : i32
    %dma_wait3A_12 = arith.constant 0 : i32
    %dma_wait3A_13 = tpu.memref_slice %arg4[%dma_wait3A, %dma_wait3A_12] : memref<819200x64xf32, #tpu.memory_space<hbm>> -> memref<256x64xf32, #tpu.memory_space<hbm>>
    %dma_wait3A_14 = arith.constant 0 : i32
    %dma_wait3A_15 = arith.constant 0 : i32
    %dma_wait3A_16 = tpu.memref_slice %arg4[%dma_wait3A_14, %dma_wait3A_15] : memref<819200x64xf32, #tpu.memory_space<hbm>> -> memref<256x64xf32, #tpu.memory_space<hbm>>
    tpu.wait_dma2 semaphore(%arg10 : memref<!tpu.dma_semaphore, #tpu.memory_space<semaphore_mem>>) src(%arg6 : memref<256x64xf32, #tpu.memory_space<vmem>>) dst(%dma_wait3A_16 : memref<256x64xf32, #tpu.memory_space<hbm>>)
    %dma_wait3A_17 = arith.constant 0 : i32
    %dma_wait3A_18 = arith.constant 0 : i32
    %dma_wait3A_19 = tpu.memref_slice %arg4[%dma_wait3A_17, %dma_wait3A_18] : memref<819200x64xf32, #tpu.memory_space<hbm>> -> memref<256x64xf32, #tpu.memory_space<hbm>>
    %dma_wait3A_20 = arith.constant 0 : i32
    %dma_wait3A_21 = arith.constant 0 : i32
    %dma_wait3A_22 = tpu.memref_slice %arg4[%dma_wait3A_20, %dma_wait3A_21] : memref<819200x64xf32, #tpu.memory_space<hbm>> -> memref<256x64xf32, #tpu.memory_space<hbm>>
    tpu.wait_dma2 semaphore(%arg11 : memref<!tpu.dma_semaphore, #tpu.memory_space<semaphore_mem>>) src(%arg7 : memref<256x64xf32, #tpu.memory_space<vmem>>) dst(%dma_wait3A_22 : memref<256x64xf32, #tpu.memory_space<hbm>>)
    return
  }
}

</mosaic_0001>

<sc_bundles>
// kernel: kernel.3.cloned.1.call-start
scs
__scs_entry_jumppad:
0x0: {  	(pc) =	sbr.rel $0x88, $3  }
0x1: {  	(tag) =	ssettag $0x0;
	lr =	simm.s32 $0x1  }
0x2: {  	[smem:$0x3F9F] =	sst lr;
	_ =	strace $0xD0000000  }
0x3: {  	_ = 	snop  }
0x4: {  	_ = 	snop  }
0x5: {  	_ = 	snop  }
0x6: {  	_ = 	snop  }
0x7: {  	_ = 	snop  }
__scs_overlays_trampoline_lowered:
0x8: {  	[smem:$0x3FAE] =	sst s0  }
0x9: {  	[smem:$0x3FAF] =	sst s1  }
0xa: {  	[smem:$0x3FB0] =	sst s2  }
0xb: {  	[smem:$0x3FB1] =	sst s3  }
0xc: {  	[smem:$0x3FB2] =	sst s4  }
0xd: {  	[smem:$0x3FB3] =	sst s5  }
0xe: {  	[smem:$0x3FB4] =	sst s6  }
0xf: {  	[smem:$0x3FB5] =	sst s7  }
0x10: {  	[smem:$0x3FB6] =	sst s8  }
0x11: {  	[smem:$0x3FB7] =	sst s9;
	s0 =	simm.s32 @!p0 $0x0  }
0x12: {  	s1 =	sld [smem:$0x3F9D];
	s0 =	simm.s32 @p0 $0x1  }
0x13: {  	[smem:$0x3FB8] =	sst s0;
	s0 =	simm.s32 @!p1 $0x0  }
0x14: {  	s2 =	sld [smem:$0x3F9C];
	s0 =	simm.s32 @p1 $0x1  }
0x15: {  	[smem:$0x3FB9] =	sst s0;
	s0 =	simm.s32 @!p2 $0x0  }
0x16: {  	s3 =	sld [smem:$0x3FDB];
	s0 =	simm.s32 @p2 $0x1  }
0x17: {  	s4 =	simm.s32 $0x1BF5;
	[smem:$0x3FBB] =	sst s0  }
0x18: {  	s0 =	sld [smem:$0x3F9E];
	_ =	swait.ge [sflag:s4], $0x0  }
0x19: {  	s7 =	sld [smem:$0x3F9F]  }
0x1a: {  	s8 =	sadd.s32 $0xFFFFE003, lr  }
0x1b: {  	s9 =	sadd.s32 $0xFFFFFEF7, lr;
	s5 =	simm.s32 $0xFFFFFFFF;
	p2 =	slt.u32 s8, $0xFFFFF086  }
0x1c: {  	p1 =	slt.u32 s9, $0xF7A;
	s5 =	simm.s32 @!p2 $0x0  }
0x1d: {  	s5 =	simm.s32 @p1 $0x1;
	p0 =	seq.s32 s7, s2  }
0x1e: {  	s7 =	smul.u32 @!p0 $0xF7A, s2;
	p2 =	seq.s32 @!p0 s5, $0x0  }
0x1f: {  	s9 =	smul.u32 $0xF7A, s1;
	s8 =	simm.s32 @!p0 $0x1BF5;
	p2 =	por !p2, p0  }
0x20: {  	[sflag:s8] =	ssyncset.s32 @!p0 $0xFFFFF086;
	s6 =	sadd.s32 @!p0 s3, s7;
	s7 =	simm.s32 @!p0 $0x108  }
0x21: {  	s3 =	sadd.s32 s3, s9;
	s6 =	sadd.s32 @!p0 $0x88, s6;
	s7 =	simm.s32 @p2 $0x1082  }
0x22: {  	[simem:s7], [sflag:s8] =	dma.local @!p0 [hbm:s6], $0xF7A  }
0x23: {  	s9 =	sor.u32 $0xD0000000, s2;
	s6 =	simm.s32 $0x108;
	_ =	swait.ge @!p0 [sflag:s8], $0x0  }
0x24: {  	s3 =	sadd.s32 $0x88, s3;
	s6 =	simm.s32 @!p1 $0x1082;
	[sflag:s4] =	ssyncset.s32 $0xFFFFF086  }
0x25: {  	[simem:s6], [sflag:s4] =	dma.local [hbm:s3], $0xF7A  }
0x26: {  	[smem:$0x3F9F] =	sst s1;
	(tag) =	ssettag s2;
	_ =	strace s9  }
0x27: {  	s1 =	sld [smem:$0x3FAF]  }
0x28: {  	s2 =	sld [smem:$0x3FB0]  }
0x29: {  	s4 =	sld [smem:$0x3FB2]  }
0x2a: {  	p0 =	seq.s32 s5, $0x0;
	s5 =	sld [smem:$0x3FB3]  }
0x2b: {  	s6 =	sld [smem:$0x3FB4]  }
0x2c: {  	s7 =	sld [smem:$0x3FB5]  }
0x2d: {  	s3 =	simm.s32 $0x108;
	s8 =	sld [smem:$0x3FB6]  }
0x2e: {  	s3 =	simm.s32 @!p0 $0x1082;
	s9 =	sld [smem:$0x3FB7]  }
0x2f: {  	lr =	sadd.s32 s0, s3;
	s0 =	sld [smem:$0x3FAE]  }
0x30: {  	s3 =	sld [smem:$0x3FB1]  }
0x31: {  	[smem:$0x3FBA] =	sst s10  }
0x32: {  	s10 =	sld [smem:$0x3FB8];
	_ =	sdelay $0x3  }
0x33: {  	p0 =	seq.s32 s10, $0x1;
	s10 =	sld [smem:$0x3FBA];
	_ =	sdelay $0x3  }
0x34: {  	[smem:$0x3FBA] =	sst s10  }
0x35: {  	s10 =	sld [smem:$0x3FB9];
	_ =	sdelay $0x3  }
0x36: {  	p1 =	seq.s32 s10, $0x1;
	s10 =	sld [smem:$0x3FBA];
	_ =	sdelay $0x3  }
0x37: {  	[smem:$0x3FBA] =	sst s10  }
0x38: {  	s10 =	sld [smem:$0x3FBB]  }
0x39: {  	_ = 	snop;
	(pc) =	sbr.ind lr, $3  }
0x3a: {  	_ = 	snop  }
0x3b: {  	_ = 	snop  }
0x3c: {  	p2 =	seq.s32 s10, $0x1;
	s10 =	sld [smem:$0x3FBA]  }
0x3d: {  	_ =	shalt  }
0x3e: {  	_ =	shalt  }
0x3f: {  	_ =	shalt  }
0x40: {  	_ =	shalt  }
0x41: {  	_ =	shalt  }
0x42: {  	_ =	shalt  }
0x43: {  	_ =	shalt  }
0x44: {  	_ =	shalt  }
0x45: {  	_ =	shalt  }
0x46: {  	_ =	shalt  }
0x47: {  	_ =	shalt  }
0x48: {  	_ =	shalt  }
0x49: {  	_ =	shalt  }
0x4a: {  	_ =	shalt  }
0x4b: {  	_ =	shalt  }
0x4c: {  	_ =	shalt  }
0x4d: {  	_ =	shalt  }
0x4e: {  	_ =	shalt  }
0x4f: {  	_ =	shalt  }
0x50: {  	_ =	shalt  }
0x51: {  	_ =	shalt  }
0x52: {  	_ =	shalt  }
0x53: {  	_ =	shalt  }
0x54: {  	_ =	shalt  }
0x55: {  	_ =	shalt  }
0x56: {  	_ =	shalt  }
0x57: {  	_ =	shalt  }
0x58: {  	_ =	shalt  }
0x59: {  	_ =	shalt  }
0x5a: {  	_ =	shalt  }
0x5b: {  	_ =	shalt  }
0x5c: {  	_ =	shalt  }
0x5d: {  	_ =	shalt  }
0x5e: {  	_ =	shalt  }
0x5f: {  	_ =	shalt  }
0x60: {  	_ =	shalt  }
0x61: {  	_ =	shalt  }
0x62: {  	_ =	shalt  }
0x63: {  	_ =	shalt  }
0x64: {  	_ =	shalt  }
0x65: {  	_ =	shalt  }
0x66: {  	_ =	shalt  }
0x67: {  	_ =	shalt  }
0x68: {  	_ =	shalt  }
0x69: {  	_ =	shalt  }
0x6a: {  	_ =	shalt  }
0x6b: {  	_ =	shalt  }
0x6c: {  	_ =	shalt  }
0x6d: {  	_ =	shalt  }
0x6e: {  	_ =	shalt  }
0x6f: {  	_ =	shalt  }
0x70: {  	_ =	shalt  }
0x71: {  	_ =	shalt  }
0x72: {  	_ =	shalt  }
0x73: {  	_ =	shalt  }
0x74: {  	_ =	shalt  }
0x75: {  	_ =	shalt  }
0x76: {  	_ =	shalt  }
0x77: {  	_ =	shalt  }
0x78: {  	_ =	shalt  }
0x79: {  	_ =	shalt  }
0x7a: {  	_ =	shalt  }
0x7b: {  	_ =	shalt  }
0x7c: {  	_ =	shalt  }
0x7d: {  	_ =	shalt  }
0x7e: {  	_ =	shalt  }
0x7f: {  	_ =	shalt  }
0x80: {  	_ =	shalt  }
0x81: {  	_ =	shalt  }
0x82: {  	_ =	shalt  }
0x83: {  	_ =	shalt  }
0x84: {  	_ =	shalt  }
0x85: {  	_ =	shalt  }
0x86: {  	_ =	shalt  }
0x87: {  	_ =	shalt  }
.Lfunc_end0:
.L_simem_size_0:
called_computation.1_lowered:
.L_overlay_start_0:
0x88: {  	s2 =	sld [smem:$0x3FD9]  }
0x89: {  	s3 =	sld [smem:$0x3FFE];
	_ =	sdelay $0x1  }
0x8a: {  	s1 =	srdreg.scid  }
0x8b: {  	s0 =	sand.u32 $0x1, s1  }
0x8c: {  	s17 =	sshll.u32 s0, $0xA;
	s2 =	sadd.s32 s3, s2  }
0x8d: {  	s2 =	sadd.s32 s2, s17  }
0x8e: {  	[smem:$0x3FC6] =	sst s2  }
0x8f: {  	_ = 	snop  }
0x90: {  	s2 =	sld [smem:$0x3FD0];
	(tm) =	ssettm $0x1  }
0x91: {  	s18 =	sld [smem:$0x3FFB];
	_ =	sdelay $0x3  }
0x92: {  	_ =	strace s18  }
0x93: {  	s3 =	sld [smem:$0x3FFC];
	_ =	sdelay $0x3  }
0x94: {  	_ =	strace s3  }
0x95: {  	s3 =	sld [smem:$0x3FFD];
	_ =	sdelay $0x3  }
0x96: {  	_ =	strace s3  }
0x97: {  	_ =	strace $0x8FFFFFFF  }
0x98: {  	s19 =	sld [smem:$0x3FDB];
	_ =	sdelay $0x1  }
0x99: {  	s4 =	simm.s32 $_scs_section_size  }
0x9a: {  	s5 =	simm.s32 $_size__tile_overlayer_lowered;
	s6 =	simm.s32 $_tile_overlayer_lowered  }
0x9b: {  	s22 =	simm.s32 $0x1BFF;
	s21 =	sshll.u32 s6, $0x1;
	s3 =	sadd.s32 s4, s19  }
0x9c: {  	s7 =	simm.s32 $0x0;
	s20 =	sshll.u32 s5, $0x1;
	s5 =	sadd.s32 s21, s3  }
0x9d: {  	[timem:s7], [sflag:s22] =	dma.local [hbm:s5], s20  }
0x9e: {  	_ =	swait.ge [sflag:s22], s20  }
0x9f: {  	s4 =	ssub.s32 $0x0, s20;
	[sflag:s22] =	ssyncset.done $0x0  }
0xa0: {  	[sflag:s22] =	ssyncadd.s32 s4;
	_ =	sdelay $0x1  }
0xa1: {  	s23 =	simm.s32 $0x1B8B  }
0xa2: {  	_ =	swait.ge [sflag:s23], $0x1  }
0xa3: {  	[sflag:s23] =	ssyncset.done $0x0  }
0xa4: {  	s25 =	simm.s32 $0x1B8E;
	s24 =	sld [smem:$0x3FFE];
	[sflag:s23] =	ssyncadd.s32 $0xFFFFFFFF  }
0xa5: {  	s26 =	simm.s32 $execute0_lowered;
	[smem:$0x3FD2] =	sst s25  }
0xa6: {  	s5 =	sshll.u32 s26, $0x1;
	_ =	strace $0x80000046;
	[dreg:$0x1] =	wrdreg $0xFFFFFFFF  }
0xa7: {  	s28 =	simm.s32 $_size_execute0_lowered;
	s3 =	sadd.s32 s3, s5;
	[dreg:$0x0] =	wrdreg $0x0  }
0xa8: {  	s5 =	sshll.u32 s28, $0x1;
	[dreg:$0x2] =	wrdreg s3  }
0xa9: {  	[dreg:$0x3] =	wrdreg s5  }
0xaa: {  	[dreg:$0x4] =	wrdreg $0xC0  }
0xab: {  	_ =	task [dreg:s7], $0x5FFFF  }
0xac: {  	[dreg:$0x1] =	wrdreg $0xFFFFFFFF  }
0xad: {  	[dreg:$0x0] =	wrdreg $0x60  }
0xae: {  	[dreg:$0x2] =	wrdreg s24  }
0xaf: {  	[dreg:$0x3] =	wrdreg s2  }
0xb0: {  	[dreg:$0x4] =	wrdreg $0x9  }
0xb1: {  	_ =	task.clear_ibuf [dreg:s7], $0x5FFFF;
	_ =	strace $0x90000046  }
0xb2: {  	s29 =	simm.s32 $0x9;
	_ =	strace $0x80000048  }
0xb3: {  	_ =	swait.ge [sflag:s29], $0x1  }
0xb4: {  	[sflag:s29] =	ssyncadd.s32 $0xFFFFFFFF  }
0xb5: {  	_ =	strace $0x90000048  }
0xb6: {  	_ =	sfence  }
0xb7: {  	s30 =	sld [smem:$0x0];
	_ =	sdelay $0x2  }
0xb8: {  	s31 =	sshll.u32 s1, $0xD;
	s1 =	sshrl.u32 s1, $0x2  }
0xb9: {  	s3 =	sand.u32 $0x4000, s31;
	s1 =	sadd.s32 s1, s30  }
0xba: {  	s0 =	sor.u32 s3, s0;
	s1 =	sshll.u32 s1, $0x11  }
0xbb: {  	s0 =	sor.u32 s1, s0  }
0xbc: {  	s0 =	sadd.s32 $0x8F2B, s0  }
0xbd: {  	[sflag:s0] =	ssyncadd.remote.s32 $0x1  }
0xbe: {  	_ =	sfence.sel $0xFFFF  }
0xbf: {  	[dreg:$0x0] =	wrdreg $0xFFFFFFFF;
	(pc) =	sbr.abs _section_cstart, $3  }
0xc0: {  	[dreg:$0x1] =	wrdreg $0xFFFFFFFF  }
0xc1: {  	_ =	task.clear_ibuf [dreg:s7], $0x2FFFF;
	_ =	strace $0x9FFFFFFF  }
0xc2: {  	(tm) =	ssettm $0x7FFFFFFF  }
0xc3: {  	_ =	shalt  }
tec
execute0_lowered:
.L_overlay_start_1:
0x0: {  	(tag) =	ssettag $0x1  }
0x1: {  	s1 =	srdreg.scid  }
0x2: {  	s0 =	stileid.u32;
	s5 =	rddreg [dreg:$0x0]  }
0x3: {  	s2 =	rddreg [dreg:$0x1];
	s3 =	simm.s32 $0x0;
	s10 =	simm.s32 $0x100  }
0x4: {  	s11 =	simm.s32 $0x6400;
	s12 =	simm.s32 $0xA400;
	s13 =	simm.s32 $0x1  }
0x5: {  	s14 =	simm.s32 $0x2;
	s6 =	sand.u32 $0x1, s1;
	s31 =	sshll.u32 s0, $0x1  }
0x6: {  	s15 =	simm.s32 $0x4;
	s16 =	simm.s32 $0x3;
	s7 =	sor.u32 s6, s31  }
0x7: {  	s17 =	simm.s32 $0x0;
	[smem:$0x7FF] =	sst s3;
	s4 =	smul.u32 $0x6400, s7  }
0x8: {  	s1 =	rddreg [dreg:$0x2];
	s6 =	ssub.s32 $0x2, s6;
	_ =	strace $0x80000047  }
0x9: {  	s9 =	sshrl.u32 s6, $0x1;
	s7 =	smul.u32 $0x190000, s7;
	s8 =	sshrl.u32 s4, $0x3  }
0xa: {  	s9 =	ssub.s32 s6, s9;
	s8 =	sadd.s32 s8, s5;
	s5 =	sadd.s32 $0xF42E00, s5  }
0xb: {  	s6 =	sadd.s32 $0xA00, s8;
	s8 =	smax.u32 s9, $0x1;
	s9 =	simm.s32 $0x5  }
.LBB2_1:
0xc: {  	[tilespmem:s3], [sflag:$0x5] =	stream.linear.gather [hbm4b:s6+s3], $0x6400, $0x38;
	[tilespmem:$0xE400] =	vst v63  }
0xd: {  	_ =	swait.ge [sflag:s9], $0x6400  }
0xe: {  	[sflag:s9] =	ssyncset.done $0x0  }
0xf: {  	s18 =	simm.s32 $0x0;
	[sflag:s9] =	ssyncadd.s32 $0xFFFF9C00  }
0x10: {  	[tilespmem:s11], [sflag:$0x1] =	stream.indirect.gather [hbm4b:s5+s10], $0x40, s3, s10, $0xb8;
	[tilespmem:$0xE400] =	vst v63  }
.LBB2_2:
0x11: {  	s20 =	sshll.u32 s18, $0x9  }
0x12: {  	s19 =	sor.u32 $0x100, s20  }
0x13: {  	[tilespmem:s12], [sflag:$0x2] =	stream.indirect.gather [hbm4b:s5+s10], $0x40, s19, s10, $0xb8;
	[tilespmem:$0xE400] =	vst v63  }
0x14: {  	_ =	swait.ge [sflag:s13], $0x4000  }
0x15: {  	p0 =	seq.s32 s18, $0x0;
	[sflag:s13] =	ssyncset.done $0x0  }
0x16: {  	s21 =	simm.s32 @!p0 $0x3;
	[sflag:s13] =	ssyncadd.s32 $0xFFFFC000  }
0x17: {  	_ =	swait.ge @!p0 [sflag:s21], $0x4000  }
0x18: {  	[sflag:s21] =	ssyncset.done @!p0 $0x0  }
0x19: {  	[sflag:s21] =	ssyncadd.s32 @!p0 $0xFFFFC000;
	s21 =	simm.s32 $0x6480  }
0x1a: {  	v0 =	vld [tilespmem:s21+$0xFFFFFF80]  }
0x1b: {  	v1 =	vld [tilespmem:s21+$0xFFFFFF90]  }
0x1c: {  	v2 =	vld [tilespmem:s21+$0xFFFFFFA0]  }
0x1d: {  	v3 =	vld [tilespmem:s21+$0xFFFFFFB0]  }
0x1e: {  	v4 =	vld [tilespmem:s21+$0xFFFFFFC0]  }
0x1f: {  	v5 =	vld [tilespmem:s21+$0xFFFFFFD0];
	v0 =	vmul.f32 $8.000000000e+00, v0  }
0x20: {  	v6 =	vld [tilespmem:s21+$0xFFFFFFE0];
	v1 =	vmul.f32 $8.000000000e+00, v1  }
0x21: {  	[tilespmem:s21+$0xFFFFFF80] =	vst v0;
	v0 =	vmul.f32 $8.000000000e+00, v2;
	v2 =	vld [tilespmem:s21+$0x0]  }
0x22: {  	[tilespmem:s21+$0xFFFFFF90] =	vst v1;
	v1 =	vmul.f32 $8.000000000e+00, v3;
	v3 =	vld [tilespmem:s21+$0x10]  }
0x23: {  	[tilespmem:s21+$0xFFFFFFA0] =	vst v0;
	v0 =	vmul.f32 $8.000000000e+00, v4;
	v4 =	vld [tilespmem:s21+$0x20]  }
0x24: {  	v7 =	vld [tilespmem:s21+$0x30];
	[tilespmem:s21+$0xFFFFFFB0] =	vst v1;
	v1 =	vmul.f32 $8.000000000e+00, v5  }
0x25: {  	v5 =	vmul.f32 $8.000000000e+00, v6;
	[tilespmem:s21+$0xFFFFFFC0] =	vst v0;
	v0 =	vld [tilespmem:s21+$0x40]  }
0x26: {  	[tilespmem:s21+$0xFFFFFFD0] =	vst v1;
	v1 =	vmul.f32 $8.000000000e+00, v2;
	v2 =	vld [tilespmem:s21+$0x50]  }
0x27: {  	[tilespmem:s21+$0xFFFFFFE0] =	vst v5;
	v6 =	vmul.f32 $8.000000000e+00, v3;
	v3 =	vld [tilespmem:s21+$0x60]  }
0x28: {  	[tilespmem:s21+$0x0] =	vst v1;
	v5 =	vmul.f32 $8.000000000e+00, v4;
	v4 =	vld [tilespmem:s21+$0x70]  }
0x29: {  	s22 =	simm.s32 $0x0;
	s23 =	simm.s32 $0x6580;
	v1 =	vld [tilespmem:s21+$0xFFFFFFF0];
	[tilespmem:s21+$0x10] =	vst v6;
	v6 =	vmul.f32 $8.000000000e+00, v7  }
.LBB2_3:
0x2a: {  	v7 =	vld [tilespmem:s23+$0xFFFFFF80];
	[tilespmem:s21+$0x20] =	vst v5;
	v0 =	vmul.f32 $8.000000000e+00, v0  }
0x2b: {  	v5 =	vld [tilespmem:s23+$0xFFFFFF90];
	[tilespmem:s21+$0x30] =	vst v6;
	v2 =	vmul.f32 $8.000000000e+00, v2  }
0x2c: {  	v6 =	vld [tilespmem:s23+$0xFFFFFFA0];
	[tilespmem:s21+$0x40] =	vst v0;
	v0 =	vmul.f32 $8.000000000e+00, v3  }
0x2d: {  	v3 =	vld [tilespmem:s23+$0xFFFFFFB0];
	[tilespmem:s21+$0x50] =	vst v2;
	v2 =	vmul.f32 $8.000000000e+00, v4  }
0x2e: {  	v4 =	vld [tilespmem:s23+$0xFFFFFFC0];
	v1 =	vmul.f32 $8.000000000e+00, v1;
	[tilespmem:s21+$0x60] =	vst v0  }
0x2f: {  	v0 =	vmul.f32 $8.000000000e+00, v7;
	v7 =	vld [tilespmem:s23+$0xFFFFFFD0];
	[tilespmem:s21+$0x70] =	vst v2  }
0x30: {  	v2 =	vmul.f32 $8.000000000e+00, v5;
	v5 =	vld [tilespmem:s23+$0xFFFFFFE0];
	[tilespmem:s21+$0xFFFFFFF0] =	vst v1;
	s21 =	smov.u32 s23  }
0x31: {  	[tilespmem:s23+$0xFFFFFF80] =	vst v0;
	v0 =	vmul.f32 $8.000000000e+00, v6;
	v1 =	vld [tilespmem:s23+$0x0]  }
0x32: {  	[tilespmem:s23+$0xFFFFFF90] =	vst v2;
	v2 =	vmul.f32 $8.000000000e+00, v3;
	v3 =	vld [tilespmem:s23+$0x10]  }
0x33: {  	s22 =	sadd.s32 $0x4, s22;
	[tilespmem:s23+$0xFFFFFFA0] =	vst v0;
	v0 =	vmul.f32 $8.000000000e+00, v4;
	v4 =	vld [tilespmem:s23+$0x20]  }
0x34: {  	p1 =	slt.u32 s22, $0xFC;
	[tilespmem:s23+$0xFFFFFFB0] =	vst v2;
	v2 =	vmul.f32 $8.000000000e+00, v7;
	v6 =	vld [tilespmem:s23+$0x30]  }
.Ltmp0:
0x35: {  	[tilespmem:s23+$0xFFFFFFC0] =	vst v0;
	v5 =	vmul.f32 $8.000000000e+00, v5;
	v0 =	vld [tilespmem:s23+$0x40];
	(pc) =	sbr.rel @p1 .LBB2_3-.Ltmp0, $4  }
0x36: {  	[tilespmem:s23+$0xFFFFFFD0] =	vst v2;
	v1 =	vmul.f32 $8.000000000e+00, v1;
	v2 =	vld [tilespmem:s23+$0x50]  }
0x37: {  	[tilespmem:s23+$0xFFFFFFE0] =	vst v5;
	v7 =	vmul.f32 $8.000000000e+00, v3;
	v3 =	vld [tilespmem:s23+$0x60]  }
0x38: {  	[tilespmem:s23+$0x0] =	vst v1;
	v5 =	vmul.f32 $8.000000000e+00, v4;
	v4 =	vld [tilespmem:s23+$0x70]  }
0x39: {  	s23 =	sadd.s32 $0x100, s23;
	v1 =	vld [tilespmem:s21+$0xFFFFFFF0];
	[tilespmem:s21+$0x10] =	vst v7;
	v6 =	vmul.f32 $8.000000000e+00, v6  }
0x3a: {  	[tilespmem:s21+$0x20] =	vst v5;
	v0 =	vmul.f32 $8.000000000e+00, v0  }
0x3b: {  	[tilespmem:s21+$0x30] =	vst v6;
	v2 =	vmul.f32 $8.000000000e+00, v2  }
0x3c: {  	p1 =	sne.s32 s18, $0x31;
	[tilespmem:s21+$0x40] =	vst v0;
	v62 =	vmul.f32 $8.000000000e+00, v3  }
.Ltmp1:
0x3d: {  	s22 =	sshll.u32 s18, $0xF;
	[tilespmem:s21+$0x50] =	vst v2;
	v63 =	vmul.f32 $8.000000000e+00, v4;
	(pc) =	sbr.rel @p1 .LBB2_6-.Ltmp1, $4  }
0x3e: {  	s22 =	sadd.s32 s7, s22;
	v1 =	vmul.f32 $8.000000000e+00, v1;
	[tilespmem:s21+$0x60] =	vst v62  }
0x3f: {  	s22 =	sshrl.u32 s22, $0x3;
	[tilespmem:s21+$0x70] =	vst v63  }
0x40: {  	s31 =	sadd.s32 s2, s22;
	[tilespmem:s21+$0xFFFFFFF0] =	vst v1  }
0x41: {  	[hbm4b:s31+s3] =	stream.linear.scatter [tilespmem:s11], [sflag:$0x3], $0x4000, $0x38;
	[tilespmem:$0xE400] =	vst v63  }
.Ltmp2:
0x42: {  	(pc) =	sbr.rel .LBB2_7-.Ltmp2, $4  }
0x43: {  	_ = 	snop  }
0x44: {  	_ =	swait.ge [sflag:s14], $0x4000  }
0x45: {  	[sflag:s14] =	ssyncset.done $0x0  }
0x46: {  	[sflag:s14] =	ssyncadd.s32 $0xFFFFC000  }
.LBB2_6:
0x47: {  	s20 =	sand.u32 $0x3FFFFE00, s20  }
.Ltmp3:
0x48: {  	s20 =	sadd.s32 $0x200, s20;
	(pc) =	sbr.rel @p0 .LBB2_8-.Ltmp3, $4  }
0x49: {  	[tilespmem:s11], [sflag:$0x1] =	stream.indirect.gather [hbm4b:s5+s10], $0x40, s20, s10, $0xb8;
	[tilespmem:$0xE400] =	vst v63  }
0x4a: {  	_ =	swait.ge [sflag:s14], $0x4000  }
0x4b: {  	[sflag:s14] =	ssyncset.done $0x0  }
0x4c: {  	[sflag:s14] =	ssyncadd.s32 $0xFFFFC000  }
.LBB2_7:
0x4d: {  	_ =	swait.ge [sflag:s15], $0x4000  }
0x4e: {  	[sflag:s15] =	ssyncset.done $0x0  }
0x4f: {  	[sflag:s15] =	ssyncadd.s32 $0xFFFFC000  }
.LBB2_8:
0x50: {  	s20 =	simm.s32 $0xA480  }
0x51: {  	v0 =	vld [tilespmem:s20+$0xFFFFFF80]  }
0x52: {  	v1 =	vld [tilespmem:s20+$0xFFFFFF90]  }
0x53: {  	v2 =	vld [tilespmem:s20+$0xFFFFFFA0]  }
0x54: {  	v3 =	vld [tilespmem:s20+$0xFFFFFFB0]  }
0x55: {  	v4 =	vld [tilespmem:s20+$0xFFFFFFC0]  }
0x56: {  	v5 =	vld [tilespmem:s20+$0xFFFFFFD0];
	v0 =	vmul.f32 $8.000000000e+00, v0  }
0x57: {  	v6 =	vld [tilespmem:s20+$0xFFFFFFE0];
	v1 =	vmul.f32 $8.000000000e+00, v1  }
0x58: {  	[tilespmem:s20+$0xFFFFFF80] =	vst v0;
	v0 =	vmul.f32 $8.000000000e+00, v2;
	v2 =	vld [tilespmem:s20+$0x0]  }
0x59: {  	[tilespmem:s20+$0xFFFFFF90] =	vst v1;
	v1 =	vmul.f32 $8.000000000e+00, v3;
	v3 =	vld [tilespmem:s20+$0x10]  }
0x5a: {  	[tilespmem:s20+$0xFFFFFFA0] =	vst v0;
	v0 =	vmul.f32 $8.000000000e+00, v4;
	v4 =	vld [tilespmem:s20+$0x20]  }
0x5b: {  	v7 =	vld [tilespmem:s20+$0x30];
	[tilespmem:s20+$0xFFFFFFB0] =	vst v1;
	v1 =	vmul.f32 $8.000000000e+00, v5  }
0x5c: {  	v5 =	vmul.f32 $8.000000000e+00, v6;
	[tilespmem:s20+$0xFFFFFFC0] =	vst v0;
	v0 =	vld [tilespmem:s20+$0x40]  }
0x5d: {  	[tilespmem:s20+$0xFFFFFFD0] =	vst v1;
	v1 =	vmul.f32 $8.000000000e+00, v2;
	v2 =	vld [tilespmem:s20+$0x50]  }
0x5e: {  	[tilespmem:s20+$0xFFFFFFE0] =	vst v5;
	v6 =	vmul.f32 $8.000000000e+00, v3;
	v3 =	vld [tilespmem:s20+$0x60]  }
0x5f: {  	[tilespmem:s20+$0x0] =	vst v1;
	v5 =	vmul.f32 $8.000000000e+00, v4;
	v4 =	vld [tilespmem:s20+$0x70]  }
0x60: {  	s21 =	simm.s32 $0x0;
	s22 =	simm.s32 $0xA580;
	v1 =	vld [tilespmem:s20+$0xFFFFFFF0];
	[tilespmem:s20+$0x10] =	vst v6;
	v6 =	vmul.f32 $8.000000000e+00, v7  }
.LBB2_9:
0x61: {  	v7 =	vld [tilespmem:s22+$0xFFFFFF80];
	[tilespmem:s20+$0x20] =	vst v5;
	v0 =	vmul.f32 $8.000000000e+00, v0  }
0x62: {  	v5 =	vld [tilespmem:s22+$0xFFFFFF90];
	[tilespmem:s20+$0x30] =	vst v6;
	v2 =	vmul.f32 $8.000000000e+00, v2  }
0x63: {  	v6 =	vld [tilespmem:s22+$0xFFFFFFA0];
	[tilespmem:s20+$0x40] =	vst v0;
	v0 =	vmul.f32 $8.000000000e+00, v3  }
0x64: {  	v3 =	vld [tilespmem:s22+$0xFFFFFFB0];
	[tilespmem:s20+$0x50] =	vst v2;
	v2 =	vmul.f32 $8.000000000e+00, v4  }
0x65: {  	v4 =	vld [tilespmem:s22+$0xFFFFFFC0];
	v1 =	vmul.f32 $8.000000000e+00, v1;
	[tilespmem:s20+$0x60] =	vst v0  }
0x66: {  	v0 =	vmul.f32 $8.000000000e+00, v7;
	v7 =	vld [tilespmem:s22+$0xFFFFFFD0];
	[tilespmem:s20+$0x70] =	vst v2  }
0x67: {  	v2 =	vmul.f32 $8.000000000e+00, v5;
	v5 =	vld [tilespmem:s22+$0xFFFFFFE0];
	[tilespmem:s20+$0xFFFFFFF0] =	vst v1;
	s20 =	smov.u32 s22  }
0x68: {  	[tilespmem:s22+$0xFFFFFF80] =	vst v0;
	v0 =	vmul.f32 $8.000000000e+00, v6;
	v1 =	vld [tilespmem:s22+$0x0]  }
0x69: {  	[tilespmem:s22+$0xFFFFFF90] =	vst v2;
	v2 =	vmul.f32 $8.000000000e+00, v3;
	v3 =	vld [tilespmem:s22+$0x10]  }
0x6a: {  	s21 =	sadd.s32 $0x4, s21;
	[tilespmem:s22+$0xFFFFFFA0] =	vst v0;
	v0 =	vmul.f32 $8.000000000e+00, v4;
	v4 =	vld [tilespmem:s22+$0x20]  }
0x6b: {  	p0 =	slt.u32 s21, $0xFC;
	[tilespmem:s22+$0xFFFFFFB0] =	vst v2;
	v2 =	vmul.f32 $8.000000000e+00, v7;
	v6 =	vld [tilespmem:s22+$0x30]  }
.Ltmp4:
0x6c: {  	[tilespmem:s22+$0xFFFFFFC0] =	vst v0;
	v5 =	vmul.f32 $8.000000000e+00, v5;
	v0 =	vld [tilespmem:s22+$0x40];
	(pc) =	sbr.rel @p0 .LBB2_9-.Ltmp4, $4  }
0x6d: {  	[tilespmem:s22+$0xFFFFFFD0] =	vst v2;
	v1 =	vmul.f32 $8.000000000e+00, v1;
	v2 =	vld [tilespmem:s22+$0x50]  }
0x6e: {  	[tilespmem:s22+$0xFFFFFFE0] =	vst v5;
	v7 =	vmul.f32 $8.000000000e+00, v3;
	v3 =	vld [tilespmem:s22+$0x60]  }
0x6f: {  	[tilespmem:s22+$0x0] =	vst v1;
	v5 =	vmul.f32 $8.000000000e+00, v4;
	v4 =	vld [tilespmem:s22+$0x70]  }
0x70: {  	s22 =	sadd.s32 $0x100, s22;
	v1 =	vld [tilespmem:s20+$0xFFFFFFF0];
	[tilespmem:s20+$0x10] =	vst v7;
	v6 =	vmul.f32 $8.000000000e+00, v6  }
0x71: {  	[tilespmem:s20+$0x20] =	vst v5;
	v0 =	vmul.f32 $8.000000000e+00, v0  }
0x72: {  	s18 =	sadd.s32 $0x1, s18;
	[tilespmem:s20+$0x30] =	vst v6;
	v2 =	vmul.f32 $8.000000000e+00, v2  }
0x73: {  	p0 =	sne.s32 s18, $0x32;
	[tilespmem:s20+$0x40] =	vst v0;
	v62 =	vmul.f32 $8.000000000e+00, v3  }
.Ltmp5:
0x74: {  	s19 =	sadd.s32 s4, s19;
	[tilespmem:s20+$0x50] =	vst v2;
	v63 =	vmul.f32 $8.000000000e+00, v4;
	(pc) =	sbr.rel @p0 .LBB2_2-.Ltmp5, $4  }
0x75: {  	s19 =	sshll.u32 s19, $0x3;
	v1 =	vmul.f32 $8.000000000e+00, v1;
	[tilespmem:s20+$0x60] =	vst v62  }
0x76: {  	s19 =	sand.u32 $0x1FFFF800, s19;
	[tilespmem:s20+$0x70] =	vst v63  }
0x77: {  	s19 =	sadd.s32 s2, s19;
	[tilespmem:s20+$0xFFFFFFF0] =	vst v1  }
0x78: {  	[hbm4b:s19+s3] =	stream.linear.scatter [tilespmem:s12], [sflag:$0x4], $0x4000, $0x38;
	[tilespmem:$0xE400] =	vst v63  }
0x79: {  	s17 =	sadd.s32 $0x1, s17  }
0x7a: {  	_ =	swait.ge [sflag:s16], $0x4000;
	p0 =	sne.s32 s17, s8  }
.Ltmp6:
0x7b: {  	[sflag:s16] =	ssyncset.done $0x0;
	(pc) =	sbr.rel @p0 .LBB2_1-.Ltmp6, $4  }
0x7c: {  	[sflag:s16] =	ssyncadd.s32 $0xFFFFC000  }
0x7d: {  	_ =	swait.ge [sflag:s15], $0x4000  }
0x7e: {  	[sflag:s15] =	ssyncset.done $0x0  }
0x7f: {  	[sflag:s15] =	ssyncadd.s32 $0xFFFFC000  }
0x80: {  	_ =	sfence.sel $0x180000  }
0x81: {  	[bflag:$0x0] =	sbarrier.arrive $0xFFFF  }
0x82: {  	p0 =	sne.s32 s0, $0x0;
	_ =	strace $0x90000047  }
0x83: {  	s0 =	sadd.s32 @!p0 $0x100000, s1;
	[bflag:$0x2] =	sbarrier.arrive $0xFFFF  }
0x84: {  	[sflag:s0] =	ssyncadd.tile.s32 @!p0 $0x1;
	_ =	shalt  }
.Lfunc_end2:
_tile_overlayer_lowered:
.L_overlay_start_2:
0x85: {  	(tag) =	ssettag $0x2  }
0x86: {  	s0 =	rddreg [dreg:$0x0];
	s2 =	stileid.u32  }
0x87: {  	s1 =	rddreg [dreg:$0x1];
	p0 =	sne.s32 s2, $0x0  }
0x88: {  	s3 =	rddreg [dreg:$0x2];
	[bflag:$0x3] =	sbarrier.arrive $0xFFFF;
	s2 =	simm.s32 @!p0 $0x1C05  }
0x89: {  	[timem:s3], [sflag:s2] =	dma.local @!p0 [hbm:s0], s1  }
0x8a: {  	s0 =	simm.s32 @!p0 $0x5  }
0x8b: {  	_ =	swait.ge @!p0 [sflag:s0], s1  }
0x8c: {  	s1 =	ssub.s32 @!p0 $0x0, s1;
	[sflag:s0] =	ssyncset.done @!p0 $0x0  }
0x8d: {  	[sflag:s0] =	ssyncadd.s32 @!p0 s1  }
0x8e: {  	[bflag:$0x3] =	sbarrier.arrive $0xFFFF  }
0x8f: {  	_ =	shalt  }

// kernel: sparse-core-data-format-call.cloned.1.call-start
scs
called_computation_lowered:
.L_overlay_start_0:
0x0: {  	s2 =	sld [smem:$0x3FD9]  }
0x1: {  	s3 =	sld [smem:$0x3FFE];
	_ =	sdelay $0x1  }
0x2: {  	s1 =	srdreg.scid  }
0x3: {  	s0 =	sand.u32 $0x1, s1  }
0x4: {  	s18 =	sshll.u32 s0, $0xA;
	s2 =	sadd.s32 s3, s2  }
0x5: {  	s2 =	sadd.s32 s2, s18  }
0x6: {  	[smem:$0x3FC6] =	sst s2  }
0x7: {  	_ = 	snop  }
0x8: {  	s2 =	sld [smem:$0x3FD0];
	(tm) =	ssettm $0x1  }
0x9: {  	s19 =	sld [smem:$0x3FFB];
	_ =	sdelay $0x3  }
0xa: {  	_ =	strace s19  }
0xb: {  	s3 =	sld [smem:$0x3FFC];
	_ =	sdelay $0x3  }
0xc: {  	_ =	strace s3  }
0xd: {  	s3 =	sld [smem:$0x3FFD];
	_ =	sdelay $0x3  }
0xe: {  	_ =	strace s3  }
0xf: {  	_ =	strace $0x8FFFFFFF  }
0x10: {  	s20 =	sld [smem:$0x3FDB];
	_ =	sdelay $0x1  }
0x11: {  	s4 =	simm.s32 $_scs_section_size  }
0x12: {  	s5 =	simm.s32 $_size__tile_overlayer_lowered;
	s6 =	simm.s32 $_tile_overlayer_lowered  }
0x13: {  	s23 =	simm.s32 $0x1BFF;
	s22 =	sshll.u32 s6, $0x1;
	s3 =	sadd.s32 s4, s20  }
0x14: {  	s7 =	simm.s32 $0x0;
	s21 =	sshll.u32 s5, $0x1;
	s5 =	sadd.s32 s22, s3  }
0x15: {  	[timem:s7], [sflag:s23] =	dma.local [hbm:s5], s21  }
0x16: {  	_ =	swait.ge [sflag:s23], s21  }
0x17: {  	s4 =	ssub.s32 $0x0, s21;
	[sflag:s23] =	ssyncset.done $0x0  }
0x18: {  	[sflag:s23] =	ssyncadd.s32 s4;
	_ =	sdelay $0x1  }
0x19: {  	s24 =	simm.s32 $0x1B8B  }
0x1a: {  	_ =	swait.ge [sflag:s24], $0x1  }
0x1b: {  	[sflag:s24] =	ssyncset.done $0x0  }
0x1c: {  	s26 =	simm.s32 $0x1B8E;
	s25 =	sld [smem:$0x3FFE];
	[sflag:s24] =	ssyncadd.s32 $0xFFFFFFFF  }
0x1d: {  	s27 =	simm.s32 $execute0_lowered;
	[smem:$0x3FD2] =	sst s26  }
0x1e: {  	s5 =	sshll.u32 s27, $0x1;
	_ =	strace $0x80000049;
	[dreg:$0x1] =	wrdreg $0xFFFFFFFF  }
0x1f: {  	s28 =	simm.s32 $_size_execute0_lowered;
	s3 =	sadd.s32 s3, s5;
	[dreg:$0x0] =	wrdreg $0x0  }
0x20: {  	s5 =	sshll.u32 s28, $0x1;
	[dreg:$0x2] =	wrdreg s3  }
0x21: {  	[dreg:$0x3] =	wrdreg s5  }
0x22: {  	[dreg:$0x4] =	wrdreg $0xC0  }
0x23: {  	_ =	task [dreg:s7], $0x5FFFF  }
0x24: {  	[dreg:$0x1] =	wrdreg $0xFFFFFFFF  }
0x25: {  	[dreg:$0x0] =	wrdreg $0x60  }
0x26: {  	[dreg:$0x2] =	wrdreg s25  }
0x27: {  	[dreg:$0x3] =	wrdreg s2  }
0x28: {  	[dreg:$0x4] =	wrdreg $0x9  }
0x29: {  	_ =	task.clear_ibuf [dreg:s7], $0x5FFFF;
	_ =	strace $0x90000049  }
0x2a: {  	s29 =	simm.s32 $0x9;
	_ =	strace $0x8000004B  }
0x2b: {  	_ =	swait.ge [sflag:s29], $0x1  }
0x2c: {  	[sflag:s29] =	ssyncadd.s32 $0xFFFFFFFF  }
0x2d: {  	_ =	strace $0x9000004B  }
0x2e: {  	_ =	sfence  }
0x2f: {  	s30 =	sld [smem:$0x0];
	_ =	sdelay $0x2  }
0x30: {  	s31 =	sshll.u32 s1, $0xD;
	s1 =	sshrl.u32 s1, $0x2  }
0x31: {  	s3 =	sand.u32 $0x4000, s31;
	s1 =	sadd.s32 s1, s30  }
0x32: {  	s0 =	sor.u32 s3, s0;
	s1 =	sshll.u32 s1, $0x11  }
0x33: {  	s0 =	sor.u32 s1, s0  }
0x34: {  	s0 =	sadd.s32 $0x8F2B, s0  }
0x35: {  	[sflag:s0] =	ssyncadd.remote.s32 $0x1  }
0x36: {  	_ =	sfence.sel $0xFFFF  }
0x37: {  	[dreg:$0x0] =	wrdreg $0xFFFFFFFF;
	(pc) =	sbr.abs _section_cstart, $3  }
0x38: {  	[dreg:$0x1] =	wrdreg $0xFFFFFFFF  }
0x39: {  	_ =	task.clear_ibuf [dreg:s7], $0x2FFFF;
	_ =	strace $0x9FFFFFFF  }
0x3a: {  	(tm) =	ssettm $0x7FFFFFFF  }
0x3b: {  	_ =	shalt  }
tec
execute0_lowered:
.L_overlay_start_1:
0x0: {  	(tag) =	ssettag $0x1  }
0x1: {  	s0 =	srdreg.scid  }
0x2: {  	s1 =	sshll.u32 s0, $0x4  }
0x3: {  	s0 =	stileid.u32;
	s1 =	sand.u32 $0x10, s1  }
0x4: {  	s1 =	sor.u32 s0, s1  }
0x5: {  	s6 =	rddreg [dreg:$0x0];
	s4 =	simm.s32 $0x1;
	s2 =	sshll.u32 s1, $0x7  }
0x6: {  	s7 =	simm.s32 $0x2;
	s12 =	simm.s32 $0x0;
	s1 =	ssub.s32 $0x1000, s2  }
0x7: {  	s8 =	simm.s32 $0x8000;
	s13 =	simm.s32 $0x0;
	s3 =	sand.u32 $0xF80, s1  }
0x8: {  	s9 =	simm.s32 $0x0;
	s5 =	sshrl.u32 s1, $0xC;
	p0 =	sne.s32 s3, $0x0  }
.Ltmp0:
0x9: {  	s1 =	rddreg [dreg:$0x2];
	s4 =	simm.s32 @!p0 $0x0;
	(pc) =	sbr.rel .LBB1_1-.Ltmp0, $4  }
0xa: {  	s11 =	simm.s32 $0x0;
	s3 =	rddreg [dreg:$0x1];
	s5 =	sadd.s32 s4, s5  }
0xb: {  	_ =	strace $0x8000004A;
	s4 =	simm.s32 $0x1;
	s5 =	smul.u32 $0xC8, s5  }
0xc: {  	s6 =	sadd.s32 $0xA00, s6;
	s10 =	smov.u32 s2;
	[sflag:s4] =	ssyncpa.u1 $0x0  }
0xd: {  	p0 =	por $0x0, $0x0;
	[sflag:s7] =	ssyncpa.u1 $0x0;
	s7 =	sor.u32 $0x1, s5  }
.LBB1_4:
0xe: {  	s16 =	sshll.u32 s13, $0x3;
	s17 =	sand.u32 $0x78, s13  }
0xf: {  	s30 =	sand.u32 $0x7E00, s13;
	s12 =	sshll.u32 s12, $0xF;
	s16 =	sand.u32 $0xC00, s16  }
0x10: {  	[tilespmem:s15+$0x810 ss:$0x81] =	vst.msk $0xffff, v2;
	s31 =	sand.u32 $0x7, s13;
	s16 =	sor.u32 s17, s16;
	s17 =	sadd.s32 s3, s30  }
0x11: {  	[tilespmem:s15+$0x1020 ss:$0x81] =	vst.msk $0xffff, v0;
	s13 =	sshll.u32 s31, $0x12;
	s12 =	sadd.s32 s12, s17;
	s16 =	sshrl.u32 s16, $0x3  }
0x12: {  	[tilespmem:s15+$0x0 ss:$0x81] =	vst.msk $0xffff, v1;
	s13 =	sor.u32 $0x400, s13;
	s12 =	sadd.s32 s16, s12  }
0x13: {  	[hbm4b:s12+s13] =	stream.strided.scatter [tilespmem:s14], [sflag:$0x2], $0x2000, s8, s13, $0x20;
	[tilespmem:$0x8080] =	vst v63  }
.LBB1_5:
0x14: {  	s14 =	sadd.s32 $0x1, s9  }
0x15: {  	s12 =	sadd.s32 $0x1000, s10;
	s16 =	smov.u32 s10;
	p2 =	sgt.s32 s14, $0xC7  }
0x16: {  	s16 =	smov.u32 @p2 s12  }
0x17: {  	s14 =	simm.s32 @p2 $0x0;
	p2 =	sgt.s32 s16, $0xFFF  }
0x18: {  	s16 =	smov.u32 @p2 s2;
	p2 =	sne.s32 s11, s7  }
.Ltmp1:
0x19: {  	p1 =	slt.u32 s11, $0x2;
	(pc) =	sbr.rel @!p2 .LBB1_6-.Ltmp1, $4  }
0x1a: {  	s15 =	simm.s32 @!p1 $0x2  }
0x1b: {  	s13 =	smov.u32 s10;
	p0 =	por !p0, !p0;
	_ =	swait.ge @!p1 [sflag:s15], $0x2000  }
0x1c: {  	s12 =	smov.u32 s9;
	[sflag:s15] =	ssyncset.done @!p1 $0x0;
	s9 =	smov.u32 s14  }
0x1d: {  	s11 =	sadd.s32 $0x1, s11;
	[sflag:s15] =	ssyncadd.s32 @!p1 $0xFFFFE000;
	s10 =	smov.u32 s16  }
.LBB1_1:
0x1e: {  	p1 =	sge.u32 s11, s5  }
0x1f: {  	s14 =	sand.u32 @!p1 $0x1FFFFFF, s9  }
0x20: {  	s15 =	smulhi.u32 @!p1 $0x147AE15, s14;
	_ =	sdelay $0x1  }
0x21: {  	s15 =	smul.u32 @!p1 $0xC8, s15  }
0x22: {  	s16 =	sxor.u32 @!p1 $0xFFFFFFFF, s11;
	s17 =	smul.u32 @!p1 $0xC80, s10  }
0x23: {  	s31 =	sadd.s32 $0xFFFFFFFF, s11;
	s16 =	sshll.u32 @!p1 s16, $0xD;
	s14 =	ssub.s32 @!p1 s14, s15  }
0x24: {  	s15 =	sand.u32 @!p1 $0x2000, s16;
	s16 =	sadd.s32 @!p1 s6, s17;
	s14 =	sshll.u32 @!p1 s14, $0x4  }
0x25: {  	s17 =	simm.s32 @!p1 $0x6400;
	s14 =	sadd.s32 @!p1 s14, s16;
	s16 =	simm.s32 @!p1 $0x40  }
0x26: {  	[tilespmem:s15], [sflag:$0x1] =	stream.strided.gather @!p1 [hbm4b:s14+s16], $0x2000, s17, s16, $0x38;
	[tilespmem:$0x8080] =	vst v63  }
0x27: {  	p1 =	sge.u32 s31, s5  }
.Ltmp2:
0x28: {  	_ = 	snop;
	(pc) =	sbr.rel @p1 .LBB1_5-.Ltmp2, $1  }
0x29: {  	_ =	sdelay $0x3  }
0x2a: {  	s14 =	simm.s32 $0x1  }
0x2b: {  	_ =	swait.ge [sflag:s4], $0x2000;
	s14 =	simm.s32 @!p0 $0x0  }
0x2c: {  	[sflag:s4] =	ssyncset.done $0x0;
	s15 =	sshll.u32 s14, $0xD  }
0x2d: {  	[sflag:s4] =	ssyncadd.s32 $0xFFFFE000;
	s18 =	sor.u32 $0x20, s15  }
0x2e: {  	s14 =	smul.u32 $0x8100, s14;
	v3 =	vld [tilespmem:s18+$0x10]  }
0x2f: {  	s30 =	sand.u32 $0x1, s11;
	v2 =	vld [tilespmem:s18+$0xFFFFFFF0]  }
0x30: {  	s15 =	smul.u32 $0x8100, s30;
	s14 =	sshrl.u32 s14, $0x2;
	v0 =	vld [tilespmem:s18+$0x0]  }
0x31: {  	v1 =	vld [tilespmem:s18+$0xFFFFFFE0];
	s16 =	sor.u32 $0x4000, s14  }
0x32: {  	s31 =	sshrl.u32 s15, $0x2;
	s15 =	sadd.s32 $0x0, s16  }
0x33: {  	s17 =	simm.s32 $0x4;
	s18 =	sadd.s32 $0x40, s18;
	s14 =	sor.u32 $0x4000, s31;
	[tilespmem:s15+$0x1830 ss:$0x81] =	vst.msk $0xffff, v3  }
.LBB1_3:
0x34: {  	v3 =	vld [tilespmem:s18+$0x10];
	p1 =	sne.s32 s17, $0x1FC;
	[tilespmem:s15+$0x810 ss:$0x81] =	vst.msk $0xffff, v2;
	s19 =	smov.u32 s17;
	s17 =	sadd.s32 $0x4, s17  }
.Ltmp3:
0x35: {  	v2 =	vld [tilespmem:s18+$0xFFFFFFF0];
	[tilespmem:s15+$0x1020 ss:$0x81] =	vst.msk $0xffff, v0;
	(pc) =	sbr.rel @p1 .LBB1_3-.Ltmp3, $4  }
0x36: {  	v0 =	vld [tilespmem:s18+$0x0];
	[tilespmem:s15+$0x0 ss:$0x81] =	vst.msk $0xffff, v1  }
0x37: {  	s15 =	sshra.s32 s19, $0x2;
	v1 =	vld [tilespmem:s18+$0xFFFFFFE0]  }
0x38: {  	s15 =	sadd.s32 s15, s16  }
0x39: {  	s18 =	sadd.s32 $0x40, s18;
	[tilespmem:s15+$0x1830 ss:$0x81] =	vst.msk $0xffff, v3  }
.Ltmp4:
0x3a: {  	_ = 	snop;
	(pc) =	sbr.rel .LBB1_4-.Ltmp4, $1  }
0x3b: {  	_ =	sdelay $0x3  }
.LBB1_6:
0x3c: {  	_ =	sfence.sel $0x180000  }
0x3d: {  	s2 =	simm.s32 $0x1;
	[bflag:$0x0] =	sbarrier.arrive $0xFFFF  }
0x3e: {  	s31 =	simm.s32 $0x2;
	[sflag:s2] =	ssyncpa.u1 $0x1  }
0x3f: {  	[sflag:s31] =	ssyncpa.u1 $0x1  }
0x40: {  	p0 =	sne.s32 s0, $0x0;
	_ =	strace $0x9000004A  }
0x41: {  	s0 =	sadd.s32 @!p0 $0x100000, s1;
	[bflag:$0x2] =	sbarrier.arrive $0xFFFF  }
0x42: {  	[sflag:s0] =	ssyncadd.tile.s32 @!p0 $0x1;
	_ =	shalt  }
.Lfunc_end1:
_tile_overlayer_lowered:
.L_overlay_start_2:
0x43: {  	(tag) =	ssettag $0x2  }
0x44: {  	s0 =	rddreg [dreg:$0x0];
	s2 =	stileid.u32  }
0x45: {  	s1 =	rddreg [dreg:$0x1];
	p0 =	sne.s32 s2, $0x0  }
0x46: {  	s3 =	rddreg [dreg:$0x2];
	[bflag:$0x3] =	sbarrier.arrive $0xFFFF;
	s2 =	simm.s32 @!p0 $0x1C01  }
0x47: {  	[timem:s3], [sflag:s2] =	dma.local @!p0 [hbm:s0], s1  }
0x48: {  	s0 =	simm.s32 @!p0 $0x1  }
0x49: {  	_ =	swait.ge @!p0 [sflag:s0], s1  }
0x4a: {  	s1 =	ssub.s32 @!p0 $0x0, s1;
	[sflag:s0] =	ssyncset.done @!p0 $0x0  }
0x4b: {  	[sflag:s0] =	ssyncadd.s32 @!p0 s1  }
0x4c: {  	[bflag:$0x3] =	sbarrier.arrive $0xFFFF  }
0x4d: {  	_ =	shalt  }

</sc_bundles>
